<compile_context>
chip_gen: v7x
topology: tpu7x:2x2x1
jax: 0.10.2.dev20260603
libtpu: 0.0.44.dev20260713+nightly
codegen_flags: <defaults>
</compile_context>

<pallas_src>
import functools

import jax
import jax.numpy as jnp
from jax import lax
from jax.experimental import pallas as pl
from jax.experimental.pallas import tpu as pltpu
from jax.experimental.pallas import tpu_sc as plsc

N = 10000
E = 160000
DF = 256
DE = 16

NUM_CORES = 2
NUM_SUBCORES = 16
EB = E // 128
EB_HALF = EB // NUM_CORES
CHUNK_EB = 125
N_CHUNKS = EB_HALF // CHUNK_EB
CHUNK_EDGES = CHUNK_EB * 128
NPAD = 10240
UNROLL = 8


def _sc_segment_sum(recv3, q, zeros_init):
    mesh = plsc.VectorSubcoreMesh(core_axis_name="c", subcore_axis_name="s")

    @functools.partial(
        pl.kernel,
        mesh=mesh,
        compiler_params=pltpu.CompilerParams(
            use_tc_tiling_on_sc=False, needs_layout_passes=False
        ),
        out_type=jax.ShapeDtypeStruct((NUM_CORES, DE, NPAD), jnp.float32),
        scratch_types=[
            pltpu.VMEM((2, CHUNK_EB, 128), jnp.int32),
            pltpu.VMEM((2, CHUNK_EB, 128), jnp.float32),
            pltpu.VMEM((NPAD,), jnp.float32),
            pltpu.SemaphoreType.DMA,
        ],
    )
    def sc_kernel(recv_hbm, q_hbm, zeros_hbm, out_hbm, idx_v, val_v, plane, sem):
        c = lax.axis_index("c")
        s = lax.axis_index("s")
        fb = s // 8
        fi = s % 8
        eb0 = c * EB_HALF

        def start_chunk(j, buf):
            base = eb0 + j * CHUNK_EB
            pltpu.make_async_copy(
                recv_hbm.at[pl.ds(base, CHUNK_EB), 1, :], idx_v.at[buf], sem
            ).start()
            pltpu.make_async_copy(
                q_hbm.at[fb, pl.ds(base, CHUNK_EB), fi, :], val_v.at[buf], sem
            ).start()

        def wait_chunk(buf):
            pltpu.make_async_copy(
                recv_hbm.at[pl.ds(0, CHUNK_EB), 1, :], idx_v.at[buf], sem
            ).wait()
            pltpu.make_async_copy(
                q_hbm.at[0, pl.ds(0, CHUNK_EB), 0, :], val_v.at[buf], sem
            ).wait()

        start_chunk(0, 0)

        pltpu.sync_copy(zeros_hbm, plane)

        for j in range(N_CHUNKS):
            buf = j % 2
            if j + 1 < N_CHUNKS:
                start_chunk(j + 1, 1 - buf)
            wait_chunk(buf)

            @plsc.parallel_loop(0, CHUNK_EB, unroll=2)
            def _(t):
                for u in range(UNROLL):
                    idx16 = idx_v[buf, t, pl.ds(u * 16, 16)]
                    val16 = val_v[buf, t, pl.ds(u * 16, 16)]
                    plsc.addupdate_scatter(plane, [idx16], val16)

        pltpu.sync_copy(plane, out_hbm.at[c, s])

    return sc_kernel(recv3, q, zeros_init)


ROW_BLOCK = 2000
ROW_BLOCK2 = 2560


def _mm1_body(x_ref, w1_ref, b_ref, o_ref):
    o_ref[...] = (
        jnp.dot(x_ref[...], w1_ref[...], preferred_element_type=jnp.float32)
        + b_ref[...]
    )


def _tc_mm1(x, W1, b2d):
    return pl.pallas_call(
        _mm1_body,
        grid=(N // ROW_BLOCK,),
        in_specs=[
            pl.BlockSpec((ROW_BLOCK, DF), lambda i: (i, 0)),
            pl.BlockSpec((DF, DF), lambda i: (0, 0)),
            pl.BlockSpec((1, DF), lambda i: (0, 0)),
        ],
        out_specs=pl.BlockSpec((ROW_BLOCK, DF), lambda i: (i, 0)),
        out_shape=jax.ShapeDtypeStruct((N, DF), jnp.float32),
    )(x, W1, b2d)


def _mm2_body(o1_ref, p_ref, w2_ref, o_ref):
    aggr_t = p_ref[0] + p_ref[1]
    upd = jax.lax.dot_general(
        aggr_t,
        w2_ref[...],
        dimension_numbers=(((0,), (0,)), ((), ())),
        preferred_element_type=jnp.float32,
    )
    o_ref[...] = o1_ref[...] + upd


def _tc_mm2(out1, partials, W2):
    grid = (N + ROW_BLOCK2 - 1) // ROW_BLOCK2
    return pl.pallas_call(
        _mm2_body,
        grid=(grid,),
        in_specs=[
            pl.BlockSpec((ROW_BLOCK2, DF), lambda i: (i, 0)),
            pl.BlockSpec((NUM_CORES, DE, ROW_BLOCK2), lambda i: (0, 0, i)),
            pl.BlockSpec((DE, DF), lambda i: (0, 0)),
        ],
        out_specs=pl.BlockSpec((ROW_BLOCK2, DF), lambda i: (i, 0)),
        out_shape=jax.ShapeDtypeStruct((N, DF), jnp.float32),
    )(out1, partials, W2)


def kernel(x, edge_index, edge_attr, pos, W, b):
    recv3 = edge_index.reshape(2, EB, 128).transpose(1, 0, 2)
    q = edge_attr.reshape(EB, 128, 2, 8).transpose(2, 0, 3, 1)
    zeros_init = jnp.zeros((NPAD,), jnp.float32)
    partials = _sc_segment_sum(recv3, q, zeros_init)
    W1 = W[:DF]
    W2 = W[DF:]
    b2d = b.reshape(1, DF)
    out1 = _tc_mm1(x, W1, b2d)
    return _tc_mm2(out1, partials, W2)

# --- scband reference (transcript-rebuilt; emitter-appended) ---
"""Pipeline reference for scband-node-block-40827959116112 (READ-ONLY COPY).

The authoritative reference and input builder live on the scoring server;
editing this copy changes nothing except your own understanding.
"""

import jax, jax.numpy as jnp
import numpy as np

N = 10000      # n_nodes
E = 160000     # n_edges
DF = 256       # d_feat
DE = 16        # d_edge


def setup_inputs(seed: int = 0) -> dict:
    key = jax.random.key(seed)
    k1, k2, k3, k4, k5 = jax.random.split(key, 5)
    x = jax.random.normal(k1, (N, DF), dtype=jnp.float32)
    # int32 used in jax to avoid requiring jax_enable_x64; values identical to int64 spec
    edge_index = jax.random.randint(k2, (2, E), 0, N, dtype=jnp.int32)
    edge_attr = jax.random.normal(k3, (E, DE), dtype=jnp.float32)
    pos = jax.random.normal(k4, (N, 3), dtype=jnp.float32)
    # model_fn materialized as Linear(DF+DE -> DF)
    W = jax.random.normal(k5, (DF + DE, DF), dtype=jnp.float32) * 0.05
    b = jnp.zeros((DF,), dtype=jnp.float32)
    return {"x": x, "edge_index": edge_index, "edge_attr": edge_attr, "pos": pos, "W": W, "b": b}


def reference(x, edge_index, edge_attr, pos, W, b):
    # NodeBlock.forward:
    #   receivers = edge_index[1]
    #   aggr = scatter_add(edge_attr, receivers, dim=0, dim_size=num_nodes)
    #   node_inputs = cat([x, aggr], -1)
    #   x_ = model_fn(node_inputs)   (Linear here)
    receivers = edge_index[1]
    aggr_edge_features = jax.ops.segment_sum(edge_attr, receivers, num_segments=N)
    node_inputs = jnp.concatenate([x, aggr_edge_features], axis=-1)
    x_ = node_inputs @ W + b
    # Data(x=x_, edge_attr=edge_attr, edge_index=edge_index, pos=pos): edge_attr/edge_index/pos pass through unchanged
    return x_

if __name__ == "__main__":
    import jax
    _d = setup_inputs()
    print(jax.jit(kernel)(*tuple(_d.values())))

</pallas_src>

<mosaic_0001>
#map = affine_map<(d0, d1) -> (0, 0, 0)>
#map1 = affine_map<(d0, d1) -> (0, 0, 0, 0)>
#map2 = affine_map<(d0, d1) -> (0)>
module attributes {stable_mosaic.version = 14 : i64} {
  func.func @sc_kernel(%arg0: i32, %arg1: i32, %arg2: memref<1250x2x128xi32, #tpu.memory_space<hbm>>, %arg3: memref<2x1250x8x128xf32, #tpu.memory_space<hbm>>, %arg4: memref<10240xf32, #tpu.memory_space<hbm>>, %arg5: memref<2x16x10240xf32, #tpu.memory_space<hbm>>, %arg6: memref<2x125x128xi32, #tpu.memory_space<vmem>>, %arg7: memref<2x125x128xf32, #tpu.memory_space<vmem>>, %arg8: memref<10240xf32, #tpu.memory_space<vmem>>, %arg9: memref<!tpu.dma_semaphore, #tpu.memory_space<semaphore_mem>>) attributes {dimension_semantics = [#tpu.dimension_semantics<core_parallel>, #tpu.dimension_semantics<subcore_parallel>], iteration_bounds = array<i64: 2, 16>, scalar_prefetch = 0 : i64, scratch_operands = 4 : i64, tpu.core_type = #tpu.core_type<sc_vector_subcore>, window_params = [{transform_indices = #map}, {transform_indices = #map1}, {transform_indices = #map2}, {transform_indices = #map}]} {
    %jit3A = arith.constant 8 : i32
    %div3A = arith.divsi %arg1, %jit3A : i32
    %sign3A = arith.constant 0 : i32
    %sign3A_0 = arith.cmpi sgt, %arg1, %sign3A : i32
    %sign3A_1 = arith.extui %sign3A_0 : i1 to i32
    %sign3A_2 = arith.constant 0 : i32
    %sign3A_3 = arith.cmpi slt, %arg1, %sign3A_2 : i32
    %sign3A_4 = arith.extui %sign3A_3 : i1 to i32
    %sign3A_5 = arith.subi %sign3A_1, %sign3A_4 : i32
    %sign3A_6 = arith.constant 0 : i32
    %sign3A_7 = arith.cmpi sgt, %jit3A, %sign3A_6 : i32
    %sign3A_8 = arith.extui %sign3A_7 : i1 to i32
    %sign3A_9 = arith.constant 0 : i32
    %sign3A_10 = arith.cmpi slt, %jit3A, %sign3A_9 : i32
    %sign3A_11 = arith.extui %sign3A_10 : i1 to i32
    %sign3A_12 = arith.subi %sign3A_8, %sign3A_11 : i32
    %ne3A = arith.cmpi ne, %sign3A_5, %sign3A_12 : i32
    %rem3A = arith.remsi %arg1, %jit3A : i32
    %ne3A_13 = arith.constant 0 : i32
    %ne3A_14 = arith.cmpi ne, %rem3A, %ne3A_13 : i32
    %and3A = arith.andi %ne3A, %ne3A_14 : i1
    %sub3A = arith.constant 1 : i32
    %sub3A_15 = arith.subi %div3A, %sub3A : i32
    %select_n3A = arith.select %and3A, %sub3A_15, %div3A : i32
    %jit3A_16 = arith.constant 8 : i32
    %eq3A = arith.constant 0 : i32
    %eq3A_17 = arith.cmpi eq, %jit3A_16, %eq3A : i32
    %jit3A_18 = arith.constant 1 : i32
    %select_n3A_19 = arith.select %eq3A_17, %jit3A_18, %jit3A_16 : i32
    %rem3A_20 = arith.remsi %arg1, %select_n3A_19 : i32
    %ne3A_21 = arith.constant 0 : i32
    %ne3A_22 = arith.cmpi ne, %rem3A_20, %ne3A_21 : i32
    %lt3A = arith.constant 0 : i32
    %lt3A_23 = arith.cmpi slt, %rem3A_20, %lt3A : i32
    %lt3A_24 = arith.constant 0 : i32
    %lt3A_25 = arith.cmpi slt, %select_n3A_19, %lt3A_24 : i32
    %ne3A_26 = arith.xori %lt3A_23, %lt3A_25 : i1
    %and3A_27 = arith.andi %ne3A_26, %ne3A_22 : i1
    %add3A = arith.addi %rem3A_20, %select_n3A_19 : i32
    %select_n3A_28 = arith.select %and3A_27, %add3A, %rem3A_20 : i32
    %mul3A = arith.constant 625 : i32
    %mul3A_29 = arith.muli %arg0, %mul3A : i32
    %add3A_30 = arith.constant 0 : i32
    %add3A_31 = arith.addi %mul3A_29, %add3A_30 : i32
    %dma_start3A = arith.constant 1 : i32
    %dma_start3A_32 = arith.constant 0 : i32
    %dma_start3A_33 = arith.constant 0 : i32
    %dma_start3A_34 = arith.constant 0 : i32
    %dma_start3A_35 = tpu.memref_slice %arg6[%dma_start3A_32, %dma_start3A_33, %dma_start3A_34] : memref<2x125x128xi32, #tpu.memory_space<vmem>> -> memref<1x125x128xi32, #tpu.memory_space<vmem>>
    %dma_start3A_36 = tpu.memref_squeeze %dma_start3A_35 : memref<1x125x128xi32, #tpu.memory_space<vmem>> -> memref<125x128xi32, #tpu.memory_space<vmem>>
    %dma_start3A_37 = arith.constant 0 : i32
    %dma_start3A_38 = tpu.memref_slice %arg2[%add3A_31, %dma_start3A, %dma_start3A_37] : memref<1250x2x128xi32, #tpu.memory_space<hbm>> -> memref<125x1x128xi32, #tpu.memory_space<hbm>>
    %dma_start3A_39 = tpu.memref_squeeze %dma_start3A_38 : memref<125x1x128xi32, #tpu.memory_space<hbm>> -> memref<125x128xi32, #tpu.memory_space<hbm>>
    %dma_start3A_40 = arith.constant 0 : i32
    %dma_start3A_41 = arith.constant 0 : i32
    %dma_start3A_42 = tpu.memref_slice %arg6[%dma_start3A_32, %dma_start3A_40, %dma_start3A_41] : memref<2x125x128xi32, #tpu.memory_space<vmem>> -> memref<1x125x128xi32, #tpu.memory_space<vmem>>
    %dma_start3A_43 = tpu.memref_squeeze %dma_start3A_42 : memref<1x125x128xi32, #tpu.memory_space<vmem>> -> memref<125x128xi32, #tpu.memory_space<vmem>>
    %dma_start3A_44 = arith.constant 0 : i32
    %dma_start3A_45 = tpu.memref_slice %arg2[%add3A_31, %dma_start3A, %dma_start3A_44] : memref<1250x2x128xi32, #tpu.memory_space<hbm>> -> memref<125x1x128xi32, #tpu.memory_space<hbm>>
    %dma_start3A_46 = tpu.memref_squeeze %dma_start3A_45 : memref<125x1x128xi32, #tpu.memory_space<hbm>> -> memref<125x128xi32, #tpu.memory_space<hbm>>
    tpu.enqueue_dma source(%dma_start3A_46 : memref<125x128xi32, #tpu.memory_space<hbm>>) target(%dma_start3A_43 : memref<125x128xi32, #tpu.memory_space<vmem>>) target_semaphore(%arg9 : memref<!tpu.dma_semaphore, #tpu.memory_space<semaphore_mem>>)
    %dma_start3A_47 = arith.constant 0 : i32
    %dma_start3A_48 = arith.constant 0 : i32
    %dma_start3A_49 = arith.constant 0 : i32
    %dma_start3A_50 = tpu.memref_slice %arg7[%dma_start3A_47, %dma_start3A_48, %dma_start3A_49] : memref<2x125x128xf32, #tpu.memory_space<vmem>> -> memref<1x125x128xf32, #tpu.memory_space<vmem>>
    %dma_start3A_51 = tpu.memref_squeeze %dma_start3A_50 : memref<1x125x128xf32, #tpu.memory_space<vmem>> -> memref<125x128xf32, #tpu.memory_space<vmem>>
    %dma_start3A_52 = arith.constant 0 : i32
    %dma_start3A_53 = tpu.memref_slice %arg3[%select_n3A, %add3A_31, %select_n3A_28, %dma_start3A_52] : memref<2x1250x8x128xf32, #tpu.memory_space<hbm>> -> memref<1x125x1x128xf32, #tpu.memory_space<hbm>>
    %dma_start3A_54 = tpu.memref_squeeze %dma_start3A_53 : memref<1x125x1x128xf32, #tpu.memory_space<hbm>> -> memref<125x128xf32, #tpu.memory_space<hbm>>
    %dma_start3A_55 = arith.constant 0 : i32
    %dma_start3A_56 = arith.constant 0 : i32
    %dma_start3A_57 = tpu.memref_slice %arg7[%dma_start3A_47, %dma_start3A_55, %dma_start3A_56] : memref<2x125x128xf32, #tpu.memory_space<vmem>> -> memref<1x125x128xf32, #tpu.memory_space<vmem>>
    %dma_start3A_58 = tpu.memref_squeeze %dma_start3A_57 : memref<1x125x128xf32, #tpu.memory_space<vmem>> -> memref<125x128xf32, #tpu.memory_space<vmem>>
    %dma_start3A_59 = arith.constant 0 : i32
    %dma_start3A_60 = tpu.memref_slice %arg3[%select_n3A, %add3A_31, %select_n3A_28, %dma_start3A_59] : memref<2x1250x8x128xf32, #tpu.memory_space<hbm>> -> memref<1x125x1x128xf32, #tpu.memory_space<hbm>>
    %dma_start3A_61 = tpu.memref_squeeze %dma_start3A_60 : memref<1x125x1x128xf32, #tpu.memory_space<hbm>> -> memref<125x128xf32, #tpu.memory_space<hbm>>
    tpu.enqueue_dma source(%dma_start3A_61 : memref<125x128xf32, #tpu.memory_space<hbm>>) target(%dma_start3A_58 : memref<125x128xf32, #tpu.memory_space<vmem>>) target_semaphore(%arg9 : memref<!tpu.dma_semaphore, #tpu.memory_space<semaphore_mem>>)
    "tpu.region"() ({
      %run_scoped3A = tpu.sem_alloc : memref<!tpu.dma_semaphore, #tpu.memory_space<semaphore_mem>>
      tpu.enqueue_dma source(%arg4 : memref<10240xf32, #tpu.memory_space<hbm>>) target(%arg8 : memref<10240xf32, #tpu.memory_space<vmem>>) target_semaphore(%run_scoped3A : memref<!tpu.dma_semaphore, #tpu.memory_space<semaphore_mem>>)
      tpu.wait_dma2 semaphore(%run_scoped3A : memref<!tpu.dma_semaphore, #tpu.memory_space<semaphore_mem>>) src(%arg4 : memref<10240xf32, #tpu.memory_space<hbm>>) dst(%arg8 : memref<10240xf32, #tpu.memory_space<vmem>>)
      tpu.yield
    }) : () -> ()
    %add3A_62 = arith.constant 125 : i32
    %add3A_63 = arith.addi %mul3A_29, %add3A_62 : i32
    %dma_start3A_64 = arith.constant 1 : i32
    %dma_start3A_65 = arith.constant 1 : i32
    %dma_start3A_66 = arith.constant 0 : i32
    %dma_start3A_67 = arith.constant 0 : i32
    %dma_start3A_68 = tpu.memref_slice %arg6[%dma_start3A_65, %dma_start3A_66, %dma_start3A_67] : memref<2x125x128xi32, #tpu.memory_space<vmem>> -> memref<1x125x128xi32, #tpu.memory_space<vmem>>
    %dma_start3A_69 = tpu.memref_squeeze %dma_start3A_68 : memref<1x125x128xi32, #tpu.memory_space<vmem>> -> memref<125x128xi32, #tpu.memory_space<vmem>>
    %dma_start3A_70 = arith.constant 0 : i32
    %dma_start3A_71 = tpu.memref_slice %arg2[%add3A_63, %dma_start3A_64, %dma_start3A_70] : memref<1250x2x128xi32, #tpu.memory_space<hbm>> -> memref<125x1x128xi32, #tpu.memory_space<hbm>>
    %dma_start3A_72 = tpu.memref_squeeze %dma_start3A_71 : memref<125x1x128xi32, #tpu.memory_space<hbm>> -> memref<125x128xi32, #tpu.memory_space<hbm>>
    %dma_start3A_73 = arith.constant 0 : i32
    %dma_start3A_74 = arith.constant 0 : i32
    %dma_start3A_75 = tpu.memref_slice %arg6[%dma_start3A_65, %dma_start3A_73, %dma_start3A_74] : memref<2x125x128xi32, #tpu.memory_space<vmem>> -> memref<1x125x128xi32, #tpu.memory_space<vmem>>
    %dma_start3A_76 = tpu.memref_squeeze %dma_start3A_75 : memref<1x125x128xi32, #tpu.memory_space<vmem>> -> memref<125x128xi32, #tpu.memory_space<vmem>>
    %dma_start3A_77 = arith.constant 0 : i32
    %dma_start3A_78 = tpu.memref_slice %arg2[%add3A_63, %dma_start3A_64, %dma_start3A_77] : memref<1250x2x128xi32, #tpu.memory_space<hbm>> -> memref<125x1x128xi32, #tpu.memory_space<hbm>>
    %dma_start3A_79 = tpu.memref_squeeze %dma_start3A_78 : memref<125x1x128xi32, #tpu.memory_space<hbm>> -> memref<125x128xi32, #tpu.memory_space<hbm>>
    tpu.enqueue_dma source(%dma_start3A_79 : memref<125x128xi32, #tpu.memory_space<hbm>>) target(%dma_start3A_76 : memref<125x128xi32, #tpu.memory_space<vmem>>) target_semaphore(%arg9 : memref<!tpu.dma_semaphore, #tpu.memory_space<semaphore_mem>>)
    %dma_start3A_80 = arith.constant 1 : i32
    %dma_start3A_81 = arith.constant 0 : i32
    %dma_start3A_82 = arith.constant 0 : i32
    %dma_start3A_83 = tpu.memref_slice %arg7[%dma_start3A_80, %dma_start3A_81, %dma_start3A_82] : memref<2x125x128xf32, #tpu.memory_space<vmem>> -> memref<1x125x128xf32, #tpu.memory_space<vmem>>
    %dma_start3A_84 = tpu.memref_squeeze %dma_start3A_83 : memref<1x125x128xf32, #tpu.memory_space<vmem>> -> memref<125x128xf32, #tpu.memory_space<vmem>>
    %dma_start3A_85 = arith.constant 0 : i32
    %dma_start3A_86 = tpu.memref_slice %arg3[%select_n3A, %add3A_63, %select_n3A_28, %dma_start3A_85] : memref<2x1250x8x128xf32, #tpu.memory_space<hbm>> -> memref<1x125x1x128xf32, #tpu.memory_space<hbm>>
    %dma_start3A_87 = tpu.memref_squeeze %dma_start3A_86 : memref<1x125x1x128xf32, #tpu.memory_space<hbm>> -> memref<125x128xf32, #tpu.memory_space<hbm>>
    %dma_start3A_88 = arith.constant 0 : i32
    %dma_start3A_89 = arith.constant 0 : i32
    %dma_start3A_90 = tpu.memref_slice %arg7[%dma_start3A_80, %dma_start3A_88, %dma_start3A_89] : memref<2x125x128xf32, #tpu.memory_space<vmem>> -> memref<1x125x128xf32, #tpu.memory_space<vmem>>
    %dma_start3A_91 = tpu.memref_squeeze %dma_start3A_90 : memref<1x125x128xf32, #tpu.memory_space<vmem>> -> memref<125x128xf32, #tpu.memory_space<vmem>>
    %dma_start3A_92 = arith.constant 0 : i32
    %dma_start3A_93 = tpu.memref_slice %arg3[%select_n3A, %add3A_63, %select_n3A_28, %dma_start3A_92] : memref<2x1250x8x128xf32, #tpu.memory_space<hbm>> -> memref<1x125x1x128xf32, #tpu.memory_space<hbm>>
    %dma_start3A_94 = tpu.memref_squeeze %dma_start3A_93 : memref<1x125x1x128xf32, #tpu.memory_space<hbm>> -> memref<125x128xf32, #tpu.memory_space<hbm>>
    tpu.enqueue_dma source(%dma_start3A_94 : memref<125x128xf32, #tpu.memory_space<hbm>>) target(%dma_start3A_91 : memref<125x128xf32, #tpu.memory_space<vmem>>) target_semaphore(%arg9 : memref<!tpu.dma_semaphore, #tpu.memory_space<semaphore_mem>>)
    %dma_wait3A = arith.constant 1 : i32
    %dma_wait3A_95 = arith.constant 0 : i32
    %dma_wait3A_96 = arith.constant 0 : i32
    %dma_wait3A_97 = arith.constant 0 : i32
    %dma_wait3A_98 = tpu.memref_slice %arg6[%dma_wait3A_95, %dma_wait3A_96, %dma_wait3A_97] : memref<2x125x128xi32, #tpu.memory_space<vmem>> -> memref<1x125x128xi32, #tpu.memory_space<vmem>>
    %dma_wait3A_99 = tpu.memref_squeeze %dma_wait3A_98 : memref<1x125x128xi32, #tpu.memory_space<vmem>> -> memref<125x128xi32, #tpu.memory_space<vmem>>
    %dma_wait3A_100 = arith.constant 0 : i32
    %dma_wait3A_101 = arith.constant 0 : i32
    %dma_wait3A_102 = tpu.memref_slice %arg2[%dma_wait3A_100, %dma_wait3A, %dma_wait3A_101] : memref<1250x2x128xi32, #tpu.memory_space<hbm>> -> memref<125x1x128xi32, #tpu.memory_space<hbm>>
    %dma_wait3A_103 = tpu.memref_squeeze %dma_wait3A_102 : memref<125x1x128xi32, #tpu.memory_space<hbm>> -> memref<125x128xi32, #tpu.memory_space<hbm>>
    %dma_wait3A_104 = arith.constant 0 : i32
    %dma_wait3A_105 = arith.constant 0 : i32
    %dma_wait3A_106 = tpu.memref_slice %arg6[%dma_wait3A_95, %dma_wait3A_104, %dma_wait3A_105] : memref<2x125x128xi32, #tpu.memory_space<vmem>> -> memref<1x125x128xi32, #tpu.memory_space<vmem>>
    %dma_wait3A_107 = tpu.memref_squeeze %dma_wait3A_106 : memref<1x125x128xi32, #tpu.memory_space<vmem>> -> memref<125x128xi32, #tpu.memory_space<vmem>>
    %dma_wait3A_108 = arith.constant 0 : i32
    %dma_wait3A_109 = arith.constant 0 : i32
    %dma_wait3A_110 = tpu.memref_slice %arg2[%dma_wait3A_108, %dma_wait3A, %dma_wait3A_109] : memref<1250x2x128xi32, #tpu.memory_space<hbm>> -> memref<125x1x128xi32, #tpu.memory_space<hbm>>
    %dma_wait3A_111 = tpu.memref_squeeze %dma_wait3A_110 : memref<125x1x128xi32, #tpu.memory_space<hbm>> -> memref<125x128xi32, #tpu.memory_space<hbm>>
    tpu.wait_dma2 semaphore(%arg9 : memref<!tpu.dma_semaphore, #tpu.memory_space<semaphore_mem>>) src(%dma_wait3A_111 : memref<125x128xi32, #tpu.memory_space<hbm>>) dst(%dma_wait3A_107 : memref<125x128xi32, #tpu.memory_space<vmem>>)
    %dma_wait3A_112 = arith.constant 0 : i32
    %dma_wait3A_113 = arith.constant 0 : i32
    %dma_wait3A_114 = arith.constant 0 : i32
    %dma_wait3A_115 = arith.constant 0 : i32
    %dma_wait3A_116 = arith.constant 0 : i32
    %dma_wait3A_117 = tpu.memref_slice %arg7[%dma_wait3A_114, %dma_wait3A_115, %dma_wait3A_116] : memref<2x125x128xf32, #tpu.memory_space<vmem>> -> memref<1x125x128xf32, #tpu.memory_space<vmem>>
    %dma_wait3A_118 = tpu.memref_squeeze %dma_wait3A_117 : memref<1x125x128xf32, #tpu.memory_space<vmem>> -> memref<125x128xf32, #tpu.memory_space<vmem>>
    %dma_wait3A_119 = arith.constant 0 : i32
    %dma_wait3A_120 = arith.constant 0 : i32
    %dma_wait3A_121 = tpu.memref_slice %arg3[%dma_wait3A_112, %dma_wait3A_119, %dma_wait3A_113, %dma_wait3A_120] : memref<2x1250x8x128xf32, #tpu.memory_space<hbm>> -> memref<1x125x1x128xf32, #tpu.memory_space<hbm>>
    %dma_wait3A_122 = tpu.memref_squeeze %dma_wait3A_121 : memref<1x125x1x128xf32, #tpu.memory_space<hbm>> -> memref<125x128xf32, #tpu.memory_space<hbm>>
    %dma_wait3A_123 = arith.constant 0 : i32
    %dma_wait3A_124 = arith.constant 0 : i32
    %dma_wait3A_125 = tpu.memref_slice %arg7[%dma_wait3A_114, %dma_wait3A_123, %dma_wait3A_124] : memref<2x125x128xf32, #tpu.memory_space<vmem>> -> memref<1x125x128xf32, #tpu.memory_space<vmem>>
    %dma_wait3A_126 = tpu.memref_squeeze %dma_wait3A_125 : memref<1x125x128xf32, #tpu.memory_space<vmem>> -> memref<125x128xf32, #tpu.memory_space<vmem>>
    %dma_wait3A_127 = arith.constant 0 : i32
    %dma_wait3A_128 = arith.constant 0 : i32
    %dma_wait3A_129 = tpu.memref_slice %arg3[%dma_wait3A_112, %dma_wait3A_127, %dma_wait3A_113, %dma_wait3A_128] : memref<2x1250x8x128xf32, #tpu.memory_space<hbm>> -> memref<1x125x1x128xf32, #tpu.memory_space<hbm>>
    %dma_wait3A_130 = tpu.memref_squeeze %dma_wait3A_129 : memref<1x125x1x128xf32, #tpu.memory_space<hbm>> -> memref<125x128xf32, #tpu.memory_space<hbm>>
    tpu.wait_dma2 semaphore(%arg9 : memref<!tpu.dma_semaphore, #tpu.memory_space<semaphore_mem>>) src(%dma_wait3A_130 : memref<125x128xf32, #tpu.memory_space<hbm>>) dst(%dma_wait3A_126 : memref<125x128xf32, #tpu.memory_space<vmem>>)
    %parallel_loop3A = arith.constant 0 : i32
    %parallel_loop3A_131 = arith.constant 125 : i32
    %parallel_loop3A_132 = arith.constant 1 : i32
    scf.for %parallel_loop3A_392 = %parallel_loop3A to %parallel_loop3A_131 step %parallel_loop3A_132  : i32 {
      %parallel_loop3A_393 = arith.constant 0 : i32
      %parallel_loop3A_394 = arith.index_cast %parallel_loop3A_393 : i32 to index
      %parallel_loop3A_395 = arith.index_cast %parallel_loop3A_392 : i32 to index
      %parallel_loop3A_396 = arith.constant 0 : index
      %parallel_loop3A_397 = tpu.vector_load %arg6[%parallel_loop3A_394, %parallel_loop3A_395, %parallel_loop3A_396] {strides = array<i32>} : memref<2x125x128xi32, #tpu.memory_space<vmem>>, vector<16xi32>,
      %parallel_loop3A_398 = arith.constant 0 : i32
      %parallel_loop3A_399 = arith.index_cast %parallel_loop3A_398 : i32 to index
      %parallel_loop3A_400 = arith.index_cast %parallel_loop3A_392 : i32 to index
      %parallel_loop3A_401 = arith.constant 0 : index
      %parallel_loop3A_402 = tpu.vector_load %arg7[%parallel_loop3A_399, %parallel_loop3A_400, %parallel_loop3A_401] {strides = array<i32>} : memref<2x125x128xf32, #tpu.memory_space<vmem>>, vector<16xf32>,
      tpu.vector_store_idx %arg8[%parallel_loop3A_397], %parallel_loop3A_402 {add = true} : memref<10240xf32, #tpu.memory_space<vmem>>[vector<16xi32>], vector<16xf32>,
      %parallel_loop3A_403 = arith.constant 0 : i32
      %parallel_loop3A_404 = arith.index_cast %parallel_loop3A_403 : i32 to index
      %parallel_loop3A_405 = arith.index_cast %parallel_loop3A_392 : i32 to index
      %parallel_loop3A_406 = arith.constant 16 : index
      %parallel_loop3A_407 = tpu.vector_load %arg6[%parallel_loop3A_404, %parallel_loop3A_405, %parallel_loop3A_406] {strides = array<i32>} : memref<2x125x128xi32, #tpu.memory_space<vmem>>, vector<16xi32>,
      %parallel_loop3A_408 = arith.constant 0 : i32
      %parallel_loop3A_409 = arith.index_cast %parallel_loop3A_408 : i32 to index
      %parallel_loop3A_410 = arith.index_cast %parallel_loop3A_392 : i32 to index
      %parallel_loop3A_411 = arith.constant 16 : index
      %parallel_loop3A_412 = tpu.vector_load %arg7[%parallel_loop3A_409, %parallel_loop3A_410, %parallel_loop3A_411] {strides = array<i32>} : memref<2x125x128xf32, #tpu.memory_space<vmem>>, vector<16xf32>,
      tpu.vector_store_idx %arg8[%parallel_loop3A_407], %parallel_loop3A_412 {add = true} : memref<10240xf32, #tpu.memory_space<vmem>>[vector<16xi32>], vector<16xf32>,
      %parallel_loop3A_413 = arith.constant 0 : i32
      %parallel_loop3A_414 = arith.index_cast %parallel_loop3A_413 : i32 to index
      %parallel_loop3A_415 = arith.index_cast %parallel_loop3A_392 : i32 to index
      %parallel_loop3A_416 = arith.constant 32 : index
      %parallel_loop3A_417 = tpu.vector_load %arg6[%parallel_loop3A_414, %parallel_loop3A_415, %parallel_loop3A_416] {strides = array<i32>} : memref<2x125x128xi32, #tpu.memory_space<vmem>>, vector<16xi32>,
      %parallel_loop3A_418 = arith.constant 0 : i32
      %parallel_loop3A_419 = arith.index_cast %parallel_loop3A_418 : i32 to index
      %parallel_loop3A_420 = arith.index_cast %parallel_loop3A_392 : i32 to index
      %parallel_loop3A_421 = arith.constant 32 : index
      %parallel_loop3A_422 = tpu.vector_load %arg7[%parallel_loop3A_419, %parallel_loop3A_420, %parallel_loop3A_421] {strides = array<i32>} : memref<2x125x128xf32, #tpu.memory_space<vmem>>, vector<16xf32>,
      tpu.vector_store_idx %arg8[%parallel_loop3A_417], %parallel_loop3A_422 {add = true} : memref<10240xf32, #tpu.memory_space<vmem>>[vector<16xi32>], vector<16xf32>,
      %parallel_loop3A_423 = arith.constant 0 : i32
      %parallel_loop3A_424 = arith.index_cast %parallel_loop3A_423 : i32 to index
      %parallel_loop3A_425 = arith.index_cast %parallel_loop3A_392 : i32 to index
      %parallel_loop3A_426 = arith.constant 48 : index
      %parallel_loop3A_427 = tpu.vector_load %arg6[%parallel_loop3A_424, %parallel_loop3A_425, %parallel_loop3A_426] {strides = array<i32>} : memref<2x125x128xi32, #tpu.memory_space<vmem>>, vector<16xi32>,
      %parallel_loop3A_428 = arith.constant 0 : i32
      %parallel_loop3A_429 = arith.index_cast %parallel_loop3A_428 : i32 to index
      %parallel_loop3A_430 = arith.index_cast %parallel_loop3A_392 : i32 to index
      %parallel_loop3A_431 = arith.constant 48 : index
      %parallel_loop3A_432 = tpu.vector_load %arg7[%parallel_loop3A_429, %parallel_loop3A_430, %parallel_loop3A_431] {strides = array<i32>} : memref<2x125x128xf32, #tpu.memory_space<vmem>>, vector<16xf32>,
      tpu.vector_store_idx %arg8[%parallel_loop3A_427], %parallel_loop3A_432 {add = true} : memref<10240xf32, #tpu.memory_space<vmem>>[vector<16xi32>], vector<16xf32>,
      %parallel_loop3A_433 = arith.constant 0 : i32
      %parallel_loop3A_434 = arith.index_cast %parallel_loop3A_433 : i32 to index
      %parallel_loop3A_435 = arith.index_cast %parallel_loop3A_392 : i32 to index
      %parallel_loop3A_436 = arith.constant 64 : index
      %parallel_loop3A_437 = tpu.vector_load %arg6[%parallel_loop3A_434, %parallel_loop3A_435, %parallel_loop3A_436] {strides = array<i32>} : memref<2x125x128xi32, #tpu.memory_space<vmem>>, vector<16xi32>,
      %parallel_loop3A_438 = arith.constant 0 : i32
      %parallel_loop3A_439 = arith.index_cast %parallel_loop3A_438 : i32 to index
      %parallel_loop3A_440 = arith.index_cast %parallel_loop3A_392 : i32 to index
      %parallel_loop3A_441 = arith.constant 64 : index
      %parallel_loop3A_442 = tpu.vector_load %arg7[%parallel_loop3A_439, %parallel_loop3A_440, %parallel_loop3A_441] {strides = array<i32>} : memref<2x125x128xf32, #tpu.memory_space<vmem>>, vector<16xf32>,
      tpu.vector_store_idx %arg8[%parallel_loop3A_437], %parallel_loop3A_442 {add = true} : memref<10240xf32, #tpu.memory_space<vmem>>[vector<16xi32>], vector<16xf32>,
      %parallel_loop3A_443 = arith.constant 0 : i32
      %parallel_loop3A_444 = arith.index_cast %parallel_loop3A_443 : i32 to index
      %parallel_loop3A_445 = arith.index_cast %parallel_loop3A_392 : i32 to index
      %parallel_loop3A_446 = arith.constant 80 : index
      %parallel_loop3A_447 = tpu.vector_load %arg6[%parallel_loop3A_444, %parallel_loop3A_445, %parallel_loop3A_446] {strides = array<i32>} : memref<2x125x128xi32, #tpu.memory_space<vmem>>, vector<16xi32>,
      %parallel_loop3A_448 = arith.constant 0 : i32
      %parallel_loop3A_449 = arith.index_cast %parallel_loop3A_448 : i32 to index
      %parallel_loop3A_450 = arith.index_cast %parallel_loop3A_392 : i32 to index
      %parallel_loop3A_451 = arith.constant 80 : index
      %parallel_loop3A_452 = tpu.vector_load %arg7[%parallel_loop3A_449, %parallel_loop3A_450, %parallel_loop3A_451] {strides = array<i32>} : memref<2x125x128xf32, #tpu.memory_space<vmem>>, vector<16xf32>,
      tpu.vector_store_idx %arg8[%parallel_loop3A_447], %parallel_loop3A_452 {add = true} : memref<10240xf32, #tpu.memory_space<vmem>>[vector<16xi32>], vector<16xf32>,
      %parallel_loop3A_453 = arith.constant 0 : i32
      %parallel_loop3A_454 = arith.index_cast %parallel_loop3A_453 : i32 to index
      %parallel_loop3A_455 = arith.index_cast %parallel_loop3A_392 : i32 to index
      %parallel_loop3A_456 = arith.constant 96 : index
      %parallel_loop3A_457 = tpu.vector_load %arg6[%parallel_loop3A_454, %parallel_loop3A_455, %parallel_loop3A_456] {strides = array<i32>} : memref<2x125x128xi32, #tpu.memory_space<vmem>>, vector<16xi32>,
      %parallel_loop3A_458 = arith.constant 0 : i32
      %parallel_loop3A_459 = arith.index_cast %parallel_loop3A_458 : i32 to index
      %parallel_loop3A_460 = arith.index_cast %parallel_loop3A_392 : i32 to index
      %parallel_loop3A_461 = arith.constant 96 : index
      %parallel_loop3A_462 = tpu.vector_load %arg7[%parallel_loop3A_459, %parallel_loop3A_460, %parallel_loop3A_461] {strides = array<i32>} : memref<2x125x128xf32, #tpu.memory_space<vmem>>, vector<16xf32>,
      tpu.vector_store_idx %arg8[%parallel_loop3A_457], %parallel_loop3A_462 {add = true} : memref<10240xf32, #tpu.memory_space<vmem>>[vector<16xi32>], vector<16xf32>,
      %parallel_loop3A_463 = arith.constant 0 : i32
      %parallel_loop3A_464 = arith.index_cast %parallel_loop3A_463 : i32 to index
      %parallel_loop3A_465 = arith.index_cast %parallel_loop3A_392 : i32 to index
      %parallel_loop3A_466 = arith.constant 112 : index
      %parallel_loop3A_467 = tpu.vector_load %arg6[%parallel_loop3A_464, %parallel_loop3A_465, %parallel_loop3A_466] {strides = array<i32>} : memref<2x125x128xi32, #tpu.memory_space<vmem>>, vector<16xi32>,
      %parallel_loop3A_468 = arith.constant 0 : i32
      %parallel_loop3A_469 = arith.index_cast %parallel_loop3A_468 : i32 to index
      %parallel_loop3A_470 = arith.index_cast %parallel_loop3A_392 : i32 to index
      %parallel_loop3A_471 = arith.constant 112 : index
      %parallel_loop3A_472 = tpu.vector_load %arg7[%parallel_loop3A_469, %parallel_loop3A_470, %parallel_loop3A_471] {strides = array<i32>} : memref<2x125x128xf32, #tpu.memory_space<vmem>>, vector<16xf32>,
      tpu.vector_store_idx %arg8[%parallel_loop3A_467], %parallel_loop3A_472 {add = true} : memref<10240xf32, #tpu.memory_space<vmem>>[vector<16xi32>], vector<16xf32>,
    } {sc.loop_unroll_factor = 2 : i64, sc.parallel_access}
    %add3A_133 = arith.constant 250 : i32
    %add3A_134 = arith.addi %mul3A_29, %add3A_133 : i32
    %dma_start3A_135 = arith.constant 1 : i32
    %dma_start3A_136 = arith.constant 0 : i32
    %dma_start3A_137 = arith.constant 0 : i32
    %dma_start3A_138 = arith.constant 0 : i32
    %dma_start3A_139 = tpu.memref_slice %arg6[%dma_start3A_136, %dma_start3A_137, %dma_start3A_138] : memref<2x125x128xi32, #tpu.memory_space<vmem>> -> memref<1x125x128xi32, #tpu.memory_space<vmem>>
    %dma_start3A_140 = tpu.memref_squeeze %dma_start3A_139 : memref<1x125x128xi32, #tpu.memory_space<vmem>> -> memref<125x128xi32, #tpu.memory_space<vmem>>
    %dma_start3A_141 = arith.constant 0 : i32
    %dma_start3A_142 = tpu.memref_slice %arg2[%add3A_134, %dma_start3A_135, %dma_start3A_141] : memref<1250x2x128xi32, #tpu.memory_space<hbm>> -> memref<125x1x128xi32, #tpu.memory_space<hbm>>
    %dma_start3A_143 = tpu.memref_squeeze %dma_start3A_142 : memref<125x1x128xi32, #tpu.memory_space<hbm>> -> memref<125x128xi32, #tpu.memory_space<hbm>>
    %dma_start3A_144 = arith.constant 0 : i32
    %dma_start3A_145 = arith.constant 0 : i32
    %dma_start3A_146 = tpu.memref_slice %arg6[%dma_start3A_136, %dma_start3A_144, %dma_start3A_145] : memref<2x125x128xi32, #tpu.memory_space<vmem>> -> memref<1x125x128xi32, #tpu.memory_space<vmem>>
    %dma_start3A_147 = tpu.memref_squeeze %dma_start3A_146 : memref<1x125x128xi32, #tpu.memory_space<vmem>> -> memref<125x128xi32, #tpu.memory_space<vmem>>
    %dma_start3A_148 = arith.constant 0 : i32
    %dma_start3A_149 = tpu.memref_slice %arg2[%add3A_134, %dma_start3A_135, %dma_start3A_148] : memref<1250x2x128xi32, #tpu.memory_space<hbm>> -> memref<125x1x128xi32, #tpu.memory_space<hbm>>
    %dma_start3A_150 = tpu.memref_squeeze %dma_start3A_149 : memref<125x1x128xi32, #tpu.memory_space<hbm>> -> memref<125x128xi32, #tpu.memory_space<hbm>>
    tpu.enqueue_dma source(%dma_start3A_150 : memref<125x128xi32, #tpu.memory_space<hbm>>) target(%dma_start3A_147 : memref<125x128xi32, #tpu.memory_space<vmem>>) target_semaphore(%arg9 : memref<!tpu.dma_semaphore, #tpu.memory_space<semaphore_mem>>)
    %dma_start3A_151 = arith.constant 0 : i32
    %dma_start3A_152 = arith.constant 0 : i32
    %dma_start3A_153 = arith.constant 0 : i32
    %dma_start3A_154 = tpu.memref_slice %arg7[%dma_start3A_151, %dma_start3A_152, %dma_start3A_153] : memref<2x125x128xf32, #tpu.memory_space<vmem>> -> memref<1x125x128xf32, #tpu.memory_space<vmem>>
    %dma_start3A_155 = tpu.memref_squeeze %dma_start3A_154 : memref<1x125x128xf32, #tpu.memory_space<vmem>> -> memref<125x128xf32, #tpu.memory_space<vmem>>
    %dma_start3A_156 = arith.constant 0 : i32
    %dma_start3A_157 = tpu.memref_slice %arg3[%select_n3A, %add3A_134, %select_n3A_28, %dma_start3A_156] : memref<2x1250x8x128xf32, #tpu.memory_space<hbm>> -> memref<1x125x1x128xf32, #tpu.memory_space<hbm>>
    %dma_start3A_158 = tpu.memref_squeeze %dma_start3A_157 : memref<1x125x1x128xf32, #tpu.memory_space<hbm>> -> memref<125x128xf32, #tpu.memory_space<hbm>>
    %dma_start3A_159 = arith.constant 0 : i32
    %dma_start3A_160 = arith.constant 0 : i32
    %dma_start3A_161 = tpu.memref_slice %arg7[%dma_start3A_151, %dma_start3A_159, %dma_start3A_160] : memref<2x125x128xf32, #tpu.memory_space<vmem>> -> memref<1x125x128xf32, #tpu.memory_space<vmem>>
    %dma_start3A_162 = tpu.memref_squeeze %dma_start3A_161 : memref<1x125x128xf32, #tpu.memory_space<vmem>> -> memref<125x128xf32, #tpu.memory_space<vmem>>
    %dma_start3A_163 = arith.constant 0 : i32
    %dma_start3A_164 = tpu.memref_slice %arg3[%select_n3A, %add3A_134, %select_n3A_28, %dma_start3A_163] : memref<2x1250x8x128xf32, #tpu.memory_space<hbm>> -> memref<1x125x1x128xf32, #tpu.memory_space<hbm>>
    %dma_start3A_165 = tpu.memref_squeeze %dma_start3A_164 : memref<1x125x1x128xf32, #tpu.memory_space<hbm>> -> memref<125x128xf32, #tpu.memory_space<hbm>>
    tpu.enqueue_dma source(%dma_start3A_165 : memref<125x128xf32, #tpu.memory_space<hbm>>) target(%dma_start3A_162 : memref<125x128xf32, #tpu.memory_space<vmem>>) target_semaphore(%arg9 : memref<!tpu.dma_semaphore, #tpu.memory_space<semaphore_mem>>)
    %dma_wait3A_166 = arith.constant 1 : i32
    %dma_wait3A_167 = arith.constant 1 : i32
    %dma_wait3A_168 = arith.constant 0 : i32
    %dma_wait3A_169 = arith.constant 0 : i32
    %dma_wait3A_170 = tpu.memref_slice %arg6[%dma_wait3A_167, %dma_wait3A_168, %dma_wait3A_169] : memref<2x125x128xi32, #tpu.memory_space<vmem>> -> memref<1x125x128xi32, #tpu.memory_space<vmem>>
    %dma_wait3A_171 = tpu.memref_squeeze %dma_wait3A_170 : memref<1x125x128xi32, #tpu.memory_space<vmem>> -> memref<125x128xi32, #tpu.memory_space<vmem>>
    %dma_wait3A_172 = arith.constant 0 : i32
    %dma_wait3A_173 = arith.constant 0 : i32
    %dma_wait3A_174 = tpu.memref_slice %arg2[%dma_wait3A_172, %dma_wait3A_166, %dma_wait3A_173] : memref<1250x2x128xi32, #tpu.memory_space<hbm>> -> memref<125x1x128xi32, #tpu.memory_space<hbm>>
    %dma_wait3A_175 = tpu.memref_squeeze %dma_wait3A_174 : memref<125x1x128xi32, #tpu.memory_space<hbm>> -> memref<125x128xi32, #tpu.memory_space<hbm>>
    %dma_wait3A_176 = arith.constant 0 : i32
    %dma_wait3A_177 = arith.constant 0 : i32
    %dma_wait3A_178 = tpu.memref_slice %arg6[%dma_wait3A_167, %dma_wait3A_176, %dma_wait3A_177] : memref<2x125x128xi32, #tpu.memory_space<vmem>> -> memref<1x125x128xi32, #tpu.memory_space<vmem>>
    %dma_wait3A_179 = tpu.memref_squeeze %dma_wait3A_178 : memref<1x125x128xi32, #tpu.memory_space<vmem>> -> memref<125x128xi32, #tpu.memory_space<vmem>>
    %dma_wait3A_180 = arith.constant 0 : i32
    %dma_wait3A_181 = arith.constant 0 : i32
    %dma_wait3A_182 = tpu.memref_slice %arg2[%dma_wait3A_180, %dma_wait3A_166, %dma_wait3A_181] : memref<1250x2x128xi32, #tpu.memory_space<hbm>> -> memref<125x1x128xi32, #tpu.memory_space<hbm>>
    %dma_wait3A_183 = tpu.memref_squeeze %dma_wait3A_182 : memref<125x1x128xi32, #tpu.memory_space<hbm>> -> memref<125x128xi32, #tpu.memory_space<hbm>>
    tpu.wait_dma2 semaphore(%arg9 : memref<!tpu.dma_semaphore, #tpu.memory_space<semaphore_mem>>) src(%dma_wait3A_183 : memref<125x128xi32, #tpu.memory_space<hbm>>) dst(%dma_wait3A_179 : memref<125x128xi32, #tpu.memory_space<vmem>>)
    %dma_wait3A_184 = arith.constant 0 : i32
    %dma_wait3A_185 = arith.constant 0 : i32
    %dma_wait3A_186 = arith.constant 1 : i32
    %dma_wait3A_187 = arith.constant 0 : i32
    %dma_wait3A_188 = arith.constant 0 : i32
    %dma_wait3A_189 = tpu.memref_slice %arg7[%dma_wait3A_186, %dma_wait3A_187, %dma_wait3A_188] : memref<2x125x128xf32, #tpu.memory_space<vmem>> -> memref<1x125x128xf32, #tpu.memory_space<vmem>>
    %dma_wait3A_190 = tpu.memref_squeeze %dma_wait3A_189 : memref<1x125x128xf32, #tpu.memory_space<vmem>> -> memref<125x128xf32, #tpu.memory_space<vmem>>
    %dma_wait3A_191 = arith.constant 0 : i32
    %dma_wait3A_192 = arith.constant 0 : i32
    %dma_wait3A_193 = tpu.memref_slice %arg3[%dma_wait3A_184, %dma_wait3A_191, %dma_wait3A_185, %dma_wait3A_192] : memref<2x1250x8x128xf32, #tpu.memory_space<hbm>> -> memref<1x125x1x128xf32, #tpu.memory_space<hbm>>
    %dma_wait3A_194 = tpu.memref_squeeze %dma_wait3A_193 : memref<1x125x1x128xf32, #tpu.memory_space<hbm>> -> memref<125x128xf32, #tpu.memory_space<hbm>>
    %dma_wait3A_195 = arith.constant 0 : i32
    %dma_wait3A_196 = arith.constant 0 : i32
    %dma_wait3A_197 = tpu.memref_slice %arg7[%dma_wait3A_186, %dma_wait3A_195, %dma_wait3A_196] : memref<2x125x128xf32, #tpu.memory_space<vmem>> -> memref<1x125x128xf32, #tpu.memory_space<vmem>>
    %dma_wait3A_198 = tpu.memref_squeeze %dma_wait3A_197 : memref<1x125x128xf32, #tpu.memory_space<vmem>> -> memref<125x128xf32, #tpu.memory_space<vmem>>
    %dma_wait3A_199 = arith.constant 0 : i32
    %dma_wait3A_200 = arith.constant 0 : i32
    %dma_wait3A_201 = tpu.memref_slice %arg3[%dma_wait3A_184, %dma_wait3A_199, %dma_wait3A_185, %dma_wait3A_200] : memref<2x1250x8x128xf32, #tpu.memory_space<hbm>> -> memref<1x125x1x128xf32, #tpu.memory_space<hbm>>
    %dma_wait3A_202 = tpu.memref_squeeze %dma_wait3A_201 : memref<1x125x1x128xf32, #tpu.memory_space<hbm>> -> memref<125x128xf32, #tpu.memory_space<hbm>>
    tpu.wait_dma2 semaphore(%arg9 : memref<!tpu.dma_semaphore, #tpu.memory_space<semaphore_mem>>) src(%dma_wait3A_202 : memref<125x128xf32, #tpu.memory_space<hbm>>) dst(%dma_wait3A_198 : memref<125x128xf32, #tpu.memory_space<vmem>>)
    %parallel_loop3A_203 = arith.constant 0 : i32
    %parallel_loop3A_204 = arith.constant 125 : i32
    %parallel_loop3A_205 = arith.constant 1 : i32
    scf.for %parallel_loop3A_392 = %parallel_loop3A_203 to %parallel_loop3A_204 step %parallel_loop3A_205  : i32 {
      %parallel_loop3A_393 = arith.constant 1 : i32
      %parallel_loop3A_394 = arith.index_cast %parallel_loop3A_393 : i32 to index
      %parallel_loop3A_395 = arith.index_cast %parallel_loop3A_392 : i32 to index
      %parallel_loop3A_396 = arith.constant 0 : index
      %parallel_loop3A_397 = tpu.vector_load %arg6[%parallel_loop3A_394, %parallel_loop3A_395, %parallel_loop3A_396] {strides = array<i32>} : memref<2x125x128xi32, #tpu.memory_space<vmem>>, vector<16xi32>,
      %parallel_loop3A_398 = arith.constant 1 : i32
      %parallel_loop3A_399 = arith.index_cast %parallel_loop3A_398 : i32 to index
      %parallel_loop3A_400 = arith.index_cast %parallel_loop3A_392 : i32 to index
      %parallel_loop3A_401 = arith.constant 0 : index
      %parallel_loop3A_402 = tpu.vector_load %arg7[%parallel_loop3A_399, %parallel_loop3A_400, %parallel_loop3A_401] {strides = array<i32>} : memref<2x125x128xf32, #tpu.memory_space<vmem>>, vector<16xf32>,
      tpu.vector_store_idx %arg8[%parallel_loop3A_397], %parallel_loop3A_402 {add = true} : memref<10240xf32, #tpu.memory_space<vmem>>[vector<16xi32>], vector<16xf32>,
      %parallel_loop3A_403 = arith.constant 1 : i32
      %parallel_loop3A_404 = arith.index_cast %parallel_loop3A_403 : i32 to index
      %parallel_loop3A_405 = arith.index_cast %parallel_loop3A_392 : i32 to index
      %parallel_loop3A_406 = arith.constant 16 : index
      %parallel_loop3A_407 = tpu.vector_load %arg6[%parallel_loop3A_404, %parallel_loop3A_405, %parallel_loop3A_406] {strides = array<i32>} : memref<2x125x128xi32, #tpu.memory_space<vmem>>, vector<16xi32>,
      %parallel_loop3A_408 = arith.constant 1 : i32
      %parallel_loop3A_409 = arith.index_cast %parallel_loop3A_408 : i32 to index
      %parallel_loop3A_410 = arith.index_cast %parallel_loop3A_392 : i32 to index
      %parallel_loop3A_411 = arith.constant 16 : index
      %parallel_loop3A_412 = tpu.vector_load %arg7[%parallel_loop3A_409, %parallel_loop3A_410, %parallel_loop3A_411] {strides = array<i32>} : memref<2x125x128xf32, #tpu.memory_space<vmem>>, vector<16xf32>,
      tpu.vector_store_idx %arg8[%parallel_loop3A_407], %parallel_loop3A_412 {add = true} : memref<10240xf32, #tpu.memory_space<vmem>>[vector<16xi32>], vector<16xf32>,
      %parallel_loop3A_413 = arith.constant 1 : i32
      %parallel_loop3A_414 = arith.index_cast %parallel_loop3A_413 : i32 to index
      %parallel_loop3A_415 = arith.index_cast %parallel_loop3A_392 : i32 to index
      %parallel_loop3A_416 = arith.constant 32 : index
      %parallel_loop3A_417 = tpu.vector_load %arg6[%parallel_loop3A_414, %parallel_loop3A_415, %parallel_loop3A_416] {strides = array<i32>} : memref<2x125x128xi32, #tpu.memory_space<vmem>>, vector<16xi32>,
      %parallel_loop3A_418 = arith.constant 1 : i32
      %parallel_loop3A_419 = arith.index_cast %parallel_loop3A_418 : i32 to index
      %parallel_loop3A_420 = arith.index_cast %parallel_loop3A_392 : i32 to index
      %parallel_loop3A_421 = arith.constant 32 : index
      %parallel_loop3A_422 = tpu.vector_load %arg7[%parallel_loop3A_419, %parallel_loop3A_420, %parallel_loop3A_421] {strides = array<i32>} : memref<2x125x128xf32, #tpu.memory_space<vmem>>, vector<16xf32>,
      tpu.vector_store_idx %arg8[%parallel_loop3A_417], %parallel_loop3A_422 {add = true} : memref<10240xf32, #tpu.memory_space<vmem>>[vector<16xi32>], vector<16xf32>,
      %parallel_loop3A_423 = arith.constant 1 : i32
      %parallel_loop3A_424 = arith.index_cast %parallel_loop3A_423 : i32 to index
      %parallel_loop3A_425 = arith.index_cast %parallel_loop3A_392 : i32 to index
      %parallel_loop3A_426 = arith.constant 48 : index
      %parallel_loop3A_427 = tpu.vector_load %arg6[%parallel_loop3A_424, %parallel_loop3A_425, %parallel_loop3A_426] {strides = array<i32>} : memref<2x125x128xi32, #tpu.memory_space<vmem>>, vector<16xi32>,
      %parallel_loop3A_428 = arith.constant 1 : i32
      %parallel_loop3A_429 = arith.index_cast %parallel_loop3A_428 : i32 to index
      %parallel_loop3A_430 = arith.index_cast %parallel_loop3A_392 : i32 to index
      %parallel_loop3A_431 = arith.constant 48 : index
      %parallel_loop3A_432 = tpu.vector_load %arg7[%parallel_loop3A_429, %parallel_loop3A_430, %parallel_loop3A_431] {strides = array<i32>} : memref<2x125x128xf32, #tpu.memory_space<vmem>>, vector<16xf32>,
      tpu.vector_store_idx %arg8[%parallel_loop3A_427], %parallel_loop3A_432 {add = true} : memref<10240xf32, #tpu.memory_space<vmem>>[vector<16xi32>], vector<16xf32>,
      %parallel_loop3A_433 = arith.constant 1 : i32
      %parallel_loop3A_434 = arith.index_cast %parallel_loop3A_433 : i32 to index
      %parallel_loop3A_435 = arith.index_cast %parallel_loop3A_392 : i32 to index
      %parallel_loop3A_436 = arith.constant 64 : index
      %parallel_loop3A_437 = tpu.vector_load %arg6[%parallel_loop3A_434, %parallel_loop3A_435, %parallel_loop3A_436] {strides = array<i32>} : memref<2x125x128xi32, #tpu.memory_space<vmem>>, vector<16xi32>,
      %parallel_loop3A_438 = arith.constant 1 : i32
      %parallel_loop3A_439 = arith.index_cast %parallel_loop3A_438 : i32 to index
      %parallel_loop3A_440 = arith.index_cast %parallel_loop3A_392 : i32 to index
      %parallel_loop3A_441 = arith.constant 64 : index
      %parallel_loop3A_442 = tpu.vector_load %arg7[%parallel_loop3A_439, %parallel_loop3A_440, %parallel_loop3A_441] {strides = array<i32>} : memref<2x125x128xf32, #tpu.memory_space<vmem>>, vector<16xf32>,
      tpu.vector_store_idx %arg8[%parallel_loop3A_437], %parallel_loop3A_442 {add = true} : memref<10240xf32, #tpu.memory_space<vmem>>[vector<16xi32>], vector<16xf32>,
      %parallel_loop3A_443 = arith.constant 1 : i32
      %parallel_loop3A_444 = arith.index_cast %parallel_loop3A_443 : i32 to index
      %parallel_loop3A_445 = arith.index_cast %parallel_loop3A_392 : i32 to index
      %parallel_loop3A_446 = arith.constant 80 : index
      %parallel_loop3A_447 = tpu.vector_load %arg6[%parallel_loop3A_444, %parallel_loop3A_445, %parallel_loop3A_446] {strides = array<i32>} : memref<2x125x128xi32, #tpu.memory_space<vmem>>, vector<16xi32>,
      %parallel_loop3A_448 = arith.constant 1 : i32
      %parallel_loop3A_449 = arith.index_cast %parallel_loop3A_448 : i32 to index
      %parallel_loop3A_450 = arith.index_cast %parallel_loop3A_392 : i32 to index
      %parallel_loop3A_451 = arith.constant 80 : index
      %parallel_loop3A_452 = tpu.vector_load %arg7[%parallel_loop3A_449, %parallel_loop3A_450, %parallel_loop3A_451] {strides = array<i32>} : memref<2x125x128xf32, #tpu.memory_space<vmem>>, vector<16xf32>,
      tpu.vector_store_idx %arg8[%parallel_loop3A_447], %parallel_loop3A_452 {add = true} : memref<10240xf32, #tpu.memory_space<vmem>>[vector<16xi32>], vector<16xf32>,
      %parallel_loop3A_453 = arith.constant 1 : i32
      %parallel_loop3A_454 = arith.index_cast %parallel_loop3A_453 : i32 to index
      %parallel_loop3A_455 = arith.index_cast %parallel_loop3A_392 : i32 to index
      %parallel_loop3A_456 = arith.constant 96 : index
      %parallel_loop3A_457 = tpu.vector_load %arg6[%parallel_loop3A_454, %parallel_loop3A_455, %parallel_loop3A_456] {strides = array<i32>} : memref<2x125x128xi32, #tpu.memory_space<vmem>>, vector<16xi32>,
      %parallel_loop3A_458 = arith.constant 1 : i32
      %parallel_loop3A_459 = arith.index_cast %parallel_loop3A_458 : i32 to index
      %parallel_loop3A_460 = arith.index_cast %parallel_loop3A_392 : i32 to index
      %parallel_loop3A_461 = arith.constant 96 : index
      %parallel_loop3A_462 = tpu.vector_load %arg7[%parallel_loop3A_459, %parallel_loop3A_460, %parallel_loop3A_461] {strides = array<i32>} : memref<2x125x128xf32, #tpu.memory_space<vmem>>, vector<16xf32>,
      tpu.vector_store_idx %arg8[%parallel_loop3A_457], %parallel_loop3A_462 {add = true} : memref<10240xf32, #tpu.memory_space<vmem>>[vector<16xi32>], vector<16xf32>,
      %parallel_loop3A_463 = arith.constant 1 : i32
      %parallel_loop3A_464 = arith.index_cast %parallel_loop3A_463 : i32 to index
      %parallel_loop3A_465 = arith.index_cast %parallel_loop3A_392 : i32 to index
      %parallel_loop3A_466 = arith.constant 112 : index
      %parallel_loop3A_467 = tpu.vector_load %arg6[%parallel_loop3A_464, %parallel_loop3A_465, %parallel_loop3A_466] {strides = array<i32>} : memref<2x125x128xi32, #tpu.memory_space<vmem>>, vector<16xi32>,
      %parallel_loop3A_468 = arith.constant 1 : i32
      %parallel_loop3A_469 = arith.index_cast %parallel_loop3A_468 : i32 to index
      %parallel_loop3A_470 = arith.index_cast %parallel_loop3A_392 : i32 to index
      %parallel_loop3A_471 = arith.constant 112 : index
      %parallel_loop3A_472 = tpu.vector_load %arg7[%parallel_loop3A_469, %parallel_loop3A_470, %parallel_loop3A_471] {strides = array<i32>} : memref<2x125x128xf32, #tpu.memory_space<vmem>>, vector<16xf32>,
      tpu.vector_store_idx %arg8[%parallel_loop3A_467], %parallel_loop3A_472 {add = true} : memref<10240xf32, #tpu.memory_space<vmem>>[vector<16xi32>], vector<16xf32>,
    } {sc.loop_unroll_factor = 2 : i64, sc.parallel_access}
    %add3A_206 = arith.constant 375 : i32
    %add3A_207 = arith.addi %mul3A_29, %add3A_206 : i32
    %dma_start3A_208 = arith.constant 1 : i32
    %dma_start3A_209 = arith.constant 1 : i32
    %dma_start3A_210 = arith.constant 0 : i32
    %dma_start3A_211 = arith.constant 0 : i32
    %dma_start3A_212 = tpu.memref_slice %arg6[%dma_start3A_209, %dma_start3A_210, %dma_start3A_211] : memref<2x125x128xi32, #tpu.memory_space<vmem>> -> memref<1x125x128xi32, #tpu.memory_space<vmem>>
    %dma_start3A_213 = tpu.memref_squeeze %dma_start3A_212 : memref<1x125x128xi32, #tpu.memory_space<vmem>> -> memref<125x128xi32, #tpu.memory_space<vmem>>
    %dma_start3A_214 = arith.constant 0 : i32
    %dma_start3A_215 = tpu.memref_slice %arg2[%add3A_207, %dma_start3A_208, %dma_start3A_214] : memref<1250x2x128xi32, #tpu.memory_space<hbm>> -> memref<125x1x128xi32, #tpu.memory_space<hbm>>
    %dma_start3A_216 = tpu.memref_squeeze %dma_start3A_215 : memref<125x1x128xi32, #tpu.memory_space<hbm>> -> memref<125x128xi32, #tpu.memory_space<hbm>>
    %dma_start3A_217 = arith.constant 0 : i32
    %dma_start3A_218 = arith.constant 0 : i32
    %dma_start3A_219 = tpu.memref_slice %arg6[%dma_start3A_209, %dma_start3A_217, %dma_start3A_218] : memref<2x125x128xi32, #tpu.memory_space<vmem>> -> memref<1x125x128xi32, #tpu.memory_space<vmem>>
    %dma_start3A_220 = tpu.memref_squeeze %dma_start3A_219 : memref<1x125x128xi32, #tpu.memory_space<vmem>> -> memref<125x128xi32, #tpu.memory_space<vmem>>
    %dma_start3A_221 = arith.constant 0 : i32
    %dma_start3A_222 = tpu.memref_slice %arg2[%add3A_207, %dma_start3A_208, %dma_start3A_221] : memref<1250x2x128xi32, #tpu.memory_space<hbm>> -> memref<125x1x128xi32, #tpu.memory_space<hbm>>
    %dma_start3A_223 = tpu.memref_squeeze %dma_start3A_222 : memref<125x1x128xi32, #tpu.memory_space<hbm>> -> memref<125x128xi32, #tpu.memory_space<hbm>>
    tpu.enqueue_dma source(%dma_start3A_223 : memref<125x128xi32, #tpu.memory_space<hbm>>) target(%dma_start3A_220 : memref<125x128xi32, #tpu.memory_space<vmem>>) target_semaphore(%arg9 : memref<!tpu.dma_semaphore, #tpu.memory_space<semaphore_mem>>)
    %dma_start3A_224 = arith.constant 1 : i32
    %dma_start3A_225 = arith.constant 0 : i32
    %dma_start3A_226 = arith.constant 0 : i32
    %dma_start3A_227 = tpu.memref_slice %arg7[%dma_start3A_224, %dma_start3A_225, %dma_start3A_226] : memref<2x125x128xf32, #tpu.memory_space<vmem>> -> memref<1x125x128xf32, #tpu.memory_space<vmem>>
    %dma_start3A_228 = tpu.memref_squeeze %dma_start3A_227 : memref<1x125x128xf32, #tpu.memory_space<vmem>> -> memref<125x128xf32, #tpu.memory_space<vmem>>
    %dma_start3A_229 = arith.constant 0 : i32
    %dma_start3A_230 = tpu.memref_slice %arg3[%select_n3A, %add3A_207, %select_n3A_28, %dma_start3A_229] : memref<2x1250x8x128xf32, #tpu.memory_space<hbm>> -> memref<1x125x1x128xf32, #tpu.memory_space<hbm>>
    %dma_start3A_231 = tpu.memref_squeeze %dma_start3A_230 : memref<1x125x1x128xf32, #tpu.memory_space<hbm>> -> memref<125x128xf32, #tpu.memory_space<hbm>>
    %dma_start3A_232 = arith.constant 0 : i32
    %dma_start3A_233 = arith.constant 0 : i32
    %dma_start3A_234 = tpu.memref_slice %arg7[%dma_start3A_224, %dma_start3A_232, %dma_start3A_233] : memref<2x125x128xf32, #tpu.memory_space<vmem>> -> memref<1x125x128xf32, #tpu.memory_space<vmem>>
    %dma_start3A_235 = tpu.memref_squeeze %dma_start3A_234 : memref<1x125x128xf32, #tpu.memory_space<vmem>> -> memref<125x128xf32, #tpu.memory_space<vmem>>
    %dma_start3A_236 = arith.constant 0 : i32
    %dma_start3A_237 = tpu.memref_slice %arg3[%select_n3A, %add3A_207, %select_n3A_28, %dma_start3A_236] : memref<2x1250x8x128xf32, #tpu.memory_space<hbm>> -> memref<1x125x1x128xf32, #tpu.memory_space<hbm>>
    %dma_start3A_238 = tpu.memref_squeeze %dma_start3A_237 : memref<1x125x1x128xf32, #tpu.memory_space<hbm>> -> memref<125x128xf32, #tpu.memory_space<hbm>>
    tpu.enqueue_dma source(%dma_start3A_238 : memref<125x128xf32, #tpu.memory_space<hbm>>) target(%dma_start3A_235 : memref<125x128xf32, #tpu.memory_space<vmem>>) target_semaphore(%arg9 : memref<!tpu.dma_semaphore, #tpu.memory_space<semaphore_mem>>)
    %dma_wait3A_239 = arith.constant 1 : i32
    %dma_wait3A_240 = arith.constant 0 : i32
    %dma_wait3A_241 = arith.constant 0 : i32
    %dma_wait3A_242 = arith.constant 0 : i32
    %dma_wait3A_243 = tpu.memref_slice %arg6[%dma_wait3A_240, %dma_wait3A_241, %dma_wait3A_242] : memref<2x125x128xi32, #tpu.memory_space<vmem>> -> memref<1x125x128xi32, #tpu.memory_space<vmem>>
    %dma_wait3A_244 = tpu.memref_squeeze %dma_wait3A_243 : memref<1x125x128xi32, #tpu.memory_space<vmem>> -> memref<125x128xi32, #tpu.memory_space<vmem>>
    %dma_wait3A_245 = arith.constant 0 : i32
    %dma_wait3A_246 = arith.constant 0 : i32
    %dma_wait3A_247 = tpu.memref_slice %arg2[%dma_wait3A_245, %dma_wait3A_239, %dma_wait3A_246] : memref<1250x2x128xi32, #tpu.memory_space<hbm>> -> memref<125x1x128xi32, #tpu.memory_space<hbm>>
    %dma_wait3A_248 = tpu.memref_squeeze %dma_wait3A_247 : memref<125x1x128xi32, #tpu.memory_space<hbm>> -> memref<125x128xi32, #tpu.memory_space<hbm>>
    %dma_wait3A_249 = arith.constant 0 : i32
    %dma_wait3A_250 = arith.constant 0 : i32
    %dma_wait3A_251 = tpu.memref_slice %arg6[%dma_wait3A_240, %dma_wait3A_249, %dma_wait3A_250] : memref<2x125x128xi32, #tpu.memory_space<vmem>> -> memref<1x125x128xi32, #tpu.memory_space<vmem>>
    %dma_wait3A_252 = tpu.memref_squeeze %dma_wait3A_251 : memref<1x125x128xi32, #tpu.memory_space<vmem>> -> memref<125x128xi32, #tpu.memory_space<vmem>>
    %dma_wait3A_253 = arith.constant 0 : i32
    %dma_wait3A_254 = arith.constant 0 : i32
    %dma_wait3A_255 = tpu.memref_slice %arg2[%dma_wait3A_253, %dma_wait3A_239, %dma_wait3A_254] : memref<1250x2x128xi32, #tpu.memory_space<hbm>> -> memref<125x1x128xi32, #tpu.memory_space<hbm>>
    %dma_wait3A_256 = tpu.memref_squeeze %dma_wait3A_255 : memref<125x1x128xi32, #tpu.memory_space<hbm>> -> memref<125x128xi32, #tpu.memory_space<hbm>>
    tpu.wait_dma2 semaphore(%arg9 : memref<!tpu.dma_semaphore, #tpu.memory_space<semaphore_mem>>) src(%dma_wait3A_256 : memref<125x128xi32, #tpu.memory_space<hbm>>) dst(%dma_wait3A_252 : memref<125x128xi32, #tpu.memory_space<vmem>>)
    %dma_wait3A_257 = arith.constant 0 : i32
    %dma_wait3A_258 = arith.constant 0 : i32
    %dma_wait3A_259 = arith.constant 0 : i32
    %dma_wait3A_260 = arith.constant 0 : i32
    %dma_wait3A_261 = arith.constant 0 : i32
    %dma_wait3A_262 = tpu.memref_slice %arg7[%dma_wait3A_259, %dma_wait3A_260, %dma_wait3A_261] : memref<2x125x128xf32, #tpu.memory_space<vmem>> -> memref<1x125x128xf32, #tpu.memory_space<vmem>>
    %dma_wait3A_263 = tpu.memref_squeeze %dma_wait3A_262 : memref<1x125x128xf32, #tpu.memory_space<vmem>> -> memref<125x128xf32, #tpu.memory_space<vmem>>
    %dma_wait3A_264 = arith.constant 0 : i32
    %dma_wait3A_265 = arith.constant 0 : i32
    %dma_wait3A_266 = tpu.memref_slice %arg3[%dma_wait3A_257, %dma_wait3A_264, %dma_wait3A_258, %dma_wait3A_265] : memref<2x1250x8x128xf32, #tpu.memory_space<hbm>> -> memref<1x125x1x128xf32, #tpu.memory_space<hbm>>
    %dma_wait3A_267 = tpu.memref_squeeze %dma_wait3A_266 : memref<1x125x1x128xf32, #tpu.memory_space<hbm>> -> memref<125x128xf32, #tpu.memory_space<hbm>>
    %dma_wait3A_268 = arith.constant 0 : i32
    %dma_wait3A_269 = arith.constant 0 : i32
    %dma_wait3A_270 = tpu.memref_slice %arg7[%dma_wait3A_259, %dma_wait3A_268, %dma_wait3A_269] : memref<2x125x128xf32, #tpu.memory_space<vmem>> -> memref<1x125x128xf32, #tpu.memory_space<vmem>>
    %dma_wait3A_271 = tpu.memref_squeeze %dma_wait3A_270 : memref<1x125x128xf32, #tpu.memory_space<vmem>> -> memref<125x128xf32, #tpu.memory_space<vmem>>
    %dma_wait3A_272 = arith.constant 0 : i32
    %dma_wait3A_273 = arith.constant 0 : i32
    %dma_wait3A_274 = tpu.memref_slice %arg3[%dma_wait3A_257, %dma_wait3A_272, %dma_wait3A_258, %dma_wait3A_273] : memref<2x1250x8x128xf32, #tpu.memory_space<hbm>> -> memref<1x125x1x128xf32, #tpu.memory_space<hbm>>
    %dma_wait3A_275 = tpu.memref_squeeze %dma_wait3A_274 : memref<1x125x1x128xf32, #tpu.memory_space<hbm>> -> memref<125x128xf32, #tpu.memory_space<hbm>>
    tpu.wait_dma2 semaphore(%arg9 : memref<!tpu.dma_semaphore, #tpu.memory_space<semaphore_mem>>) src(%dma_wait3A_275 : memref<125x128xf32, #tpu.memory_space<hbm>>) dst(%dma_wait3A_271 : memref<125x128xf32, #tpu.memory_space<vmem>>)
    %parallel_loop3A_276 = arith.constant 0 : i32
    %parallel_loop3A_277 = arith.constant 125 : i32
    %parallel_loop3A_278 = arith.constant 1 : i32
    scf.for %parallel_loop3A_392 = %parallel_loop3A_276 to %parallel_loop3A_277 step %parallel_loop3A_278  : i32 {
      %parallel_loop3A_393 = arith.constant 0 : i32
      %parallel_loop3A_394 = arith.index_cast %parallel_loop3A_393 : i32 to index
      %parallel_loop3A_395 = arith.index_cast %parallel_loop3A_392 : i32 to index
      %parallel_loop3A_396 = arith.constant 0 : index
      %parallel_loop3A_397 = tpu.vector_load %arg6[%parallel_loop3A_394, %parallel_loop3A_395, %parallel_loop3A_396] {strides = array<i32>} : memref<2x125x128xi32, #tpu.memory_space<vmem>>, vector<16xi32>,
      %parallel_loop3A_398 = arith.constant 0 : i32
      %parallel_loop3A_399 = arith.index_cast %parallel_loop3A_398 : i32 to index
      %parallel_loop3A_400 = arith.index_cast %parallel_loop3A_392 : i32 to index
      %parallel_loop3A_401 = arith.constant 0 : index
      %parallel_loop3A_402 = tpu.vector_load %arg7[%parallel_loop3A_399, %parallel_loop3A_400, %parallel_loop3A_401] {strides = array<i32>} : memref<2x125x128xf32, #tpu.memory_space<vmem>>, vector<16xf32>,
      tpu.vector_store_idx %arg8[%parallel_loop3A_397], %parallel_loop3A_402 {add = true} : memref<10240xf32, #tpu.memory_space<vmem>>[vector<16xi32>], vector<16xf32>,
      %parallel_loop3A_403 = arith.constant 0 : i32
      %parallel_loop3A_404 = arith.index_cast %parallel_loop3A_403 : i32 to index
      %parallel_loop3A_405 = arith.index_cast %parallel_loop3A_392 : i32 to index
      %parallel_loop3A_406 = arith.constant 16 : index
      %parallel_loop3A_407 = tpu.vector_load %arg6[%parallel_loop3A_404, %parallel_loop3A_405, %parallel_loop3A_406] {strides = array<i32>} : memref<2x125x128xi32, #tpu.memory_space<vmem>>, vector<16xi32>,
      %parallel_loop3A_408 = arith.constant 0 : i32
      %parallel_loop3A_409 = arith.index_cast %parallel_loop3A_408 : i32 to index
      %parallel_loop3A_410 = arith.index_cast %parallel_loop3A_392 : i32 to index
      %parallel_loop3A_411 = arith.constant 16 : index
      %parallel_loop3A_412 = tpu.vector_load %arg7[%parallel_loop3A_409, %parallel_loop3A_410, %parallel_loop3A_411] {strides = array<i32>} : memref<2x125x128xf32, #tpu.memory_space<vmem>>, vector<16xf32>,
      tpu.vector_store_idx %arg8[%parallel_loop3A_407], %parallel_loop3A_412 {add = true} : memref<10240xf32, #tpu.memory_space<vmem>>[vector<16xi32>], vector<16xf32>,
      %parallel_loop3A_413 = arith.constant 0 : i32
      %parallel_loop3A_414 = arith.index_cast %parallel_loop3A_413 : i32 to index
      %parallel_loop3A_415 = arith.index_cast %parallel_loop3A_392 : i32 to index
      %parallel_loop3A_416 = arith.constant 32 : index
      %parallel_loop3A_417 = tpu.vector_load %arg6[%parallel_loop3A_414, %parallel_loop3A_415, %parallel_loop3A_416] {strides = array<i32>} : memref<2x125x128xi32, #tpu.memory_space<vmem>>, vector<16xi32>,
      %parallel_loop3A_418 = arith.constant 0 : i32
      %parallel_loop3A_419 = arith.index_cast %parallel_loop3A_418 : i32 to index
      %parallel_loop3A_420 = arith.index_cast %parallel_loop3A_392 : i32 to index
      %parallel_loop3A_421 = arith.constant 32 : index
      %parallel_loop3A_422 = tpu.vector_load %arg7[%parallel_loop3A_419, %parallel_loop3A_420, %parallel_loop3A_421] {strides = array<i32>} : memref<2x125x128xf32, #tpu.memory_space<vmem>>, vector<16xf32>,
      tpu.vector_store_idx %arg8[%parallel_loop3A_417], %parallel_loop3A_422 {add = true} : memref<10240xf32, #tpu.memory_space<vmem>>[vector<16xi32>], vector<16xf32>,
      %parallel_loop3A_423 = arith.constant 0 : i32
      %parallel_loop3A_424 = arith.index_cast %parallel_loop3A_423 : i32 to index
      %parallel_loop3A_425 = arith.index_cast %parallel_loop3A_392 : i32 to index
      %parallel_loop3A_426 = arith.constant 48 : index
      %parallel_loop3A_427 = tpu.vector_load %arg6[%parallel_loop3A_424, %parallel_loop3A_425, %parallel_loop3A_426] {strides = array<i32>} : memref<2x125x128xi32, #tpu.memory_space<vmem>>, vector<16xi32>,
      %parallel_loop3A_428 = arith.constant 0 : i32
      %parallel_loop3A_429 = arith.index_cast %parallel_loop3A_428 : i32 to index
      %parallel_loop3A_430 = arith.index_cast %parallel_loop3A_392 : i32 to index
      %parallel_loop3A_431 = arith.constant 48 : index
      %parallel_loop3A_432 = tpu.vector_load %arg7[%parallel_loop3A_429, %parallel_loop3A_430, %parallel_loop3A_431] {strides = array<i32>} : memref<2x125x128xf32, #tpu.memory_space<vmem>>, vector<16xf32>,
      tpu.vector_store_idx %arg8[%parallel_loop3A_427], %parallel_loop3A_432 {add = true} : memref<10240xf32, #tpu.memory_space<vmem>>[vector<16xi32>], vector<16xf32>,
      %parallel_loop3A_433 = arith.constant 0 : i32
      %parallel_loop3A_434 = arith.index_cast %parallel_loop3A_433 : i32 to index
      %parallel_loop3A_435 = arith.index_cast %parallel_loop3A_392 : i32 to index
      %parallel_loop3A_436 = arith.constant 64 : index
      %parallel_loop3A_437 = tpu.vector_load %arg6[%parallel_loop3A_434, %parallel_loop3A_435, %parallel_loop3A_436] {strides = array<i32>} : memref<2x125x128xi32, #tpu.memory_space<vmem>>, vector<16xi32>,
      %parallel_loop3A_438 = arith.constant 0 : i32
      %parallel_loop3A_439 = arith.index_cast %parallel_loop3A_438 : i32 to index
      %parallel_loop3A_440 = arith.index_cast %parallel_loop3A_392 : i32 to index
      %parallel_loop3A_441 = arith.constant 64 : index
      %parallel_loop3A_442 = tpu.vector_load %arg7[%parallel_loop3A_439, %parallel_loop3A_440, %parallel_loop3A_441] {strides = array<i32>} : memref<2x125x128xf32, #tpu.memory_space<vmem>>, vector<16xf32>,
      tpu.vector_store_idx %arg8[%parallel_loop3A_437], %parallel_loop3A_442 {add = true} : memref<10240xf32, #tpu.memory_space<vmem>>[vector<16xi32>], vector<16xf32>,
      %parallel_loop3A_443 = arith.constant 0 : i32
      %parallel_loop3A_444 = arith.index_cast %parallel_loop3A_443 : i32 to index
      %parallel_loop3A_445 = arith.index_cast %parallel_loop3A_392 : i32 to index
      %parallel_loop3A_446 = arith.constant 80 : index
      %parallel_loop3A_447 = tpu.vector_load %arg6[%parallel_loop3A_444, %parallel_loop3A_445, %parallel_loop3A_446] {strides = array<i32>} : memref<2x125x128xi32, #tpu.memory_space<vmem>>, vector<16xi32>,
      %parallel_loop3A_448 = arith.constant 0 : i32
      %parallel_loop3A_449 = arith.index_cast %parallel_loop3A_448 : i32 to index
      %parallel_loop3A_450 = arith.index_cast %parallel_loop3A_392 : i32 to index
      %parallel_loop3A_451 = arith.constant 80 : index
      %parallel_loop3A_452 = tpu.vector_load %arg7[%parallel_loop3A_449, %parallel_loop3A_450, %parallel_loop3A_451] {strides = array<i32>} : memref<2x125x128xf32, #tpu.memory_space<vmem>>, vector<16xf32>,
      tpu.vector_store_idx %arg8[%parallel_loop3A_447], %parallel_loop3A_452 {add = true} : memref<10240xf32, #tpu.memory_space<vmem>>[vector<16xi32>], vector<16xf32>,
      %parallel_loop3A_453 = arith.constant 0 : i32
      %parallel_loop3A_454 = arith.index_cast %parallel_loop3A_453 : i32 to index
      %parallel_loop3A_455 = arith.index_cast %parallel_loop3A_392 : i32 to index
      %parallel_loop3A_456 = arith.constant 96 : index
      %parallel_loop3A_457 = tpu.vector_load %arg6[%parallel_loop3A_454, %parallel_loop3A_455, %parallel_loop3A_456] {strides = array<i32>} : memref<2x125x128xi32, #tpu.memory_space<vmem>>, vector<16xi32>,
      %parallel_loop3A_458 = arith.constant 0 : i32
      %parallel_loop3A_459 = arith.index_cast %parallel_loop3A_458 : i32 to index
      %parallel_loop3A_460 = arith.index_cast %parallel_loop3A_392 : i32 to index
      %parallel_loop3A_461 = arith.constant 96 : index
      %parallel_loop3A_462 = tpu.vector_load %arg7[%parallel_loop3A_459, %parallel_loop3A_460, %parallel_loop3A_461] {strides = array<i32>} : memref<2x125x128xf32, #tpu.memory_space<vmem>>, vector<16xf32>,
      tpu.vector_store_idx %arg8[%parallel_loop3A_457], %parallel_loop3A_462 {add = true} : memref<10240xf32, #tpu.memory_space<vmem>>[vector<16xi32>], vector<16xf32>,
      %parallel_loop3A_463 = arith.constant 0 : i32
      %parallel_loop3A_464 = arith.index_cast %parallel_loop3A_463 : i32 to index
      %parallel_loop3A_465 = arith.index_cast %parallel_loop3A_392 : i32 to index
      %parallel_loop3A_466 = arith.constant 112 : index
      %parallel_loop3A_467 = tpu.vector_load %arg6[%parallel_loop3A_464, %parallel_loop3A_465, %parallel_loop3A_466] {strides = array<i32>} : memref<2x125x128xi32, #tpu.memory_space<vmem>>, vector<16xi32>,
      %parallel_loop3A_468 = arith.constant 0 : i32
      %parallel_loop3A_469 = arith.index_cast %parallel_loop3A_468 : i32 to index
      %parallel_loop3A_470 = arith.index_cast %parallel_loop3A_392 : i32 to index
      %parallel_loop3A_471 = arith.constant 112 : index
      %parallel_loop3A_472 = tpu.vector_load %arg7[%parallel_loop3A_469, %parallel_loop3A_470, %parallel_loop3A_471] {strides = array<i32>} : memref<2x125x128xf32, #tpu.memory_space<vmem>>, vector<16xf32>,
      tpu.vector_store_idx %arg8[%parallel_loop3A_467], %parallel_loop3A_472 {add = true} : memref<10240xf32, #tpu.memory_space<vmem>>[vector<16xi32>], vector<16xf32>,
    } {sc.loop_unroll_factor = 2 : i64, sc.parallel_access}
    %add3A_279 = arith.constant 500 : i32
    %add3A_280 = arith.addi %mul3A_29, %add3A_279 : i32
    %dma_start3A_281 = arith.constant 1 : i32
    %dma_start3A_282 = arith.constant 0 : i32
    %dma_start3A_283 = arith.constant 0 : i32
    %dma_start3A_284 = arith.constant 0 : i32
    %dma_start3A_285 = tpu.memref_slice %arg6[%dma_start3A_282, %dma_start3A_283, %dma_start3A_284] : memref<2x125x128xi32, #tpu.memory_space<vmem>> -> memref<1x125x128xi32, #tpu.memory_space<vmem>>
    %dma_start3A_286 = tpu.memref_squeeze %dma_start3A_285 : memref<1x125x128xi32, #tpu.memory_space<vmem>> -> memref<125x128xi32, #tpu.memory_space<vmem>>
    %dma_start3A_287 = arith.constant 0 : i32
    %dma_start3A_288 = tpu.memref_slice %arg2[%add3A_280, %dma_start3A_281, %dma_start3A_287] : memref<1250x2x128xi32, #tpu.memory_space<hbm>> -> memref<125x1x128xi32, #tpu.memory_space<hbm>>
    %dma_start3A_289 = tpu.memref_squeeze %dma_start3A_288 : memref<125x1x128xi32, #tpu.memory_space<hbm>> -> memref<125x128xi32, #tpu.memory_space<hbm>>
    %dma_start3A_290 = arith.constant 0 : i32
    %dma_start3A_291 = arith.constant 0 : i32
    %dma_start3A_292 = tpu.memref_slice %arg6[%dma_start3A_282, %dma_start3A_290, %dma_start3A_291] : memref<2x125x128xi32, #tpu.memory_space<vmem>> -> memref<1x125x128xi32, #tpu.memory_space<vmem>>
    %dma_start3A_293 = tpu.memref_squeeze %dma_start3A_292 : memref<1x125x128xi32, #tpu.memory_space<vmem>> -> memref<125x128xi32, #tpu.memory_space<vmem>>
    %dma_start3A_294 = arith.constant 0 : i32
    %dma_start3A_295 = tpu.memref_slice %arg2[%add3A_280, %dma_start3A_281, %dma_start3A_294] : memref<1250x2x128xi32, #tpu.memory_space<hbm>> -> memref<125x1x128xi32, #tpu.memory_space<hbm>>
    %dma_start3A_296 = tpu.memref_squeeze %dma_start3A_295 : memref<125x1x128xi32, #tpu.memory_space<hbm>> -> memref<125x128xi32, #tpu.memory_space<hbm>>
    tpu.enqueue_dma source(%dma_start3A_296 : memref<125x128xi32, #tpu.memory_space<hbm>>) target(%dma_start3A_293 : memref<125x128xi32, #tpu.memory_space<vmem>>) target_semaphore(%arg9 : memref<!tpu.dma_semaphore, #tpu.memory_space<semaphore_mem>>)
    %dma_start3A_297 = arith.constant 0 : i32
    %dma_start3A_298 = arith.constant 0 : i32
    %dma_start3A_299 = arith.constant 0 : i32
    %dma_start3A_300 = tpu.memref_slice %arg7[%dma_start3A_297, %dma_start3A_298, %dma_start3A_299] : memref<2x125x128xf32, #tpu.memory_space<vmem>> -> memref<1x125x128xf32, #tpu.memory_space<vmem>>
    %dma_start3A_301 = tpu.memref_squeeze %dma_start3A_300 : memref<1x125x128xf32, #tpu.memory_space<vmem>> -> memref<125x128xf32, #tpu.memory_space<vmem>>
    %dma_start3A_302 = arith.constant 0 : i32
    %dma_start3A_303 = tpu.memref_slice %arg3[%select_n3A, %add3A_280, %select_n3A_28, %dma_start3A_302] : memref<2x1250x8x128xf32, #tpu.memory_space<hbm>> -> memref<1x125x1x128xf32, #tpu.memory_space<hbm>>
    %dma_start3A_304 = tpu.memref_squeeze %dma_start3A_303 : memref<1x125x1x128xf32, #tpu.memory_space<hbm>> -> memref<125x128xf32, #tpu.memory_space<hbm>>
    %dma_start3A_305 = arith.constant 0 : i32
    %dma_start3A_306 = arith.constant 0 : i32
    %dma_start3A_307 = tpu.memref_slice %arg7[%dma_start3A_297, %dma_start3A_305, %dma_start3A_306] : memref<2x125x128xf32, #tpu.memory_space<vmem>> -> memref<1x125x128xf32, #tpu.memory_space<vmem>>
    %dma_start3A_308 = tpu.memref_squeeze %dma_start3A_307 : memref<1x125x128xf32, #tpu.memory_space<vmem>> -> memref<125x128xf32, #tpu.memory_space<vmem>>
    %dma_start3A_309 = arith.constant 0 : i32
    %dma_start3A_310 = tpu.memref_slice %arg3[%select_n3A, %add3A_280, %select_n3A_28, %dma_start3A_309] : memref<2x1250x8x128xf32, #tpu.memory_space<hbm>> -> memref<1x125x1x128xf32, #tpu.memory_space<hbm>>
    %dma_start3A_311 = tpu.memref_squeeze %dma_start3A_310 : memref<1x125x1x128xf32, #tpu.memory_space<hbm>> -> memref<125x128xf32, #tpu.memory_space<hbm>>
    tpu.enqueue_dma source(%dma_start3A_311 : memref<125x128xf32, #tpu.memory_space<hbm>>) target(%dma_start3A_308 : memref<125x128xf32, #tpu.memory_space<vmem>>) target_semaphore(%arg9 : memref<!tpu.dma_semaphore, #tpu.memory_space<semaphore_mem>>)
    %dma_wait3A_312 = arith.constant 1 : i32
    %dma_wait3A_313 = arith.constant 1 : i32
    %dma_wait3A_314 = arith.constant 0 : i32
    %dma_wait3A_315 = arith.constant 0 : i32
    %dma_wait3A_316 = tpu.memref_slice %arg6[%dma_wait3A_313, %dma_wait3A_314, %dma_wait3A_315] : memref<2x125x128xi32, #tpu.memory_space<vmem>> -> memref<1x125x128xi32, #tpu.memory_space<vmem>>
    %dma_wait3A_317 = tpu.memref_squeeze %dma_wait3A_316 : memref<1x125x128xi32, #tpu.memory_space<vmem>> -> memref<125x128xi32, #tpu.memory_space<vmem>>
    %dma_wait3A_318 = arith.constant 0 : i32
    %dma_wait3A_319 = arith.constant 0 : i32
    %dma_wait3A_320 = tpu.memref_slice %arg2[%dma_wait3A_318, %dma_wait3A_312, %dma_wait3A_319] : memref<1250x2x128xi32, #tpu.memory_space<hbm>> -> memref<125x1x128xi32, #tpu.memory_space<hbm>>
    %dma_wait3A_321 = tpu.memref_squeeze %dma_wait3A_320 : memref<125x1x128xi32, #tpu.memory_space<hbm>> -> memref<125x128xi32, #tpu.memory_space<hbm>>
    %dma_wait3A_322 = arith.constant 0 : i32
    %dma_wait3A_323 = arith.constant 0 : i32
    %dma_wait3A_324 = tpu.memref_slice %arg6[%dma_wait3A_313, %dma_wait3A_322, %dma_wait3A_323] : memref<2x125x128xi32, #tpu.memory_space<vmem>> -> memref<1x125x128xi32, #tpu.memory_space<vmem>>
    %dma_wait3A_325 = tpu.memref_squeeze %dma_wait3A_324 : memref<1x125x128xi32, #tpu.memory_space<vmem>> -> memref<125x128xi32, #tpu.memory_space<vmem>>
    %dma_wait3A_326 = arith.constant 0 : i32
    %dma_wait3A_327 = arith.constant 0 : i32
    %dma_wait3A_328 = tpu.memref_slice %arg2[%dma_wait3A_326, %dma_wait3A_312, %dma_wait3A_327] : memref<1250x2x128xi32, #tpu.memory_space<hbm>> -> memref<125x1x128xi32, #tpu.memory_space<hbm>>
    %dma_wait3A_329 = tpu.memref_squeeze %dma_wait3A_328 : memref<125x1x128xi32, #tpu.memory_space<hbm>> -> memref<125x128xi32, #tpu.memory_space<hbm>>
    tpu.wait_dma2 semaphore(%arg9 : memref<!tpu.dma_semaphore, #tpu.memory_space<semaphore_mem>>) src(%dma_wait3A_329 : memref<125x128xi32, #tpu.memory_space<hbm>>) dst(%dma_wait3A_325 : memref<125x128xi32, #tpu.memory_space<vmem>>)
    %dma_wait3A_330 = arith.constant 0 : i32
    %dma_wait3A_331 = arith.constant 0 : i32
    %dma_wait3A_332 = arith.constant 1 : i32
    %dma_wait3A_333 = arith.constant 0 : i32
    %dma_wait3A_334 = arith.constant 0 : i32
    %dma_wait3A_335 = tpu.memref_slice %arg7[%dma_wait3A_332, %dma_wait3A_333, %dma_wait3A_334] : memref<2x125x128xf32, #tpu.memory_space<vmem>> -> memref<1x125x128xf32, #tpu.memory_space<vmem>>
    %dma_wait3A_336 = tpu.memref_squeeze %dma_wait3A_335 : memref<1x125x128xf32, #tpu.memory_space<vmem>> -> memref<125x128xf32, #tpu.memory_space<vmem>>
    %dma_wait3A_337 = arith.constant 0 : i32
    %dma_wait3A_338 = arith.constant 0 : i32
    %dma_wait3A_339 = tpu.memref_slice %arg3[%dma_wait3A_330, %dma_wait3A_337, %dma_wait3A_331, %dma_wait3A_338] : memref<2x1250x8x128xf32, #tpu.memory_space<hbm>> -> memref<1x125x1x128xf32, #tpu.memory_space<hbm>>
    %dma_wait3A_340 = tpu.memref_squeeze %dma_wait3A_339 : memref<1x125x1x128xf32, #tpu.memory_space<hbm>> -> memref<125x128xf32, #tpu.memory_space<hbm>>
    %dma_wait3A_341 = arith.constant 0 : i32
    %dma_wait3A_342 = arith.constant 0 : i32
    %dma_wait3A_343 = tpu.memref_slice %arg7[%dma_wait3A_332, %dma_wait3A_341, %dma_wait3A_342] : memref<2x125x128xf32, #tpu.memory_space<vmem>> -> memref<1x125x128xf32, #tpu.memory_space<vmem>>
    %dma_wait3A_344 = tpu.memref_squeeze %dma_wait3A_343 : memref<1x125x128xf32, #tpu.memory_space<vmem>> -> memref<125x128xf32, #tpu.memory_space<vmem>>
    %dma_wait3A_345 = arith.constant 0 : i32
    %dma_wait3A_346 = arith.constant 0 : i32
    %dma_wait3A_347 = tpu.memref_slice %arg3[%dma_wait3A_330, %dma_wait3A_345, %dma_wait3A_331, %dma_wait3A_346] : memref<2x1250x8x128xf32, #tpu.memory_space<hbm>> -> memref<1x125x1x128xf32, #tpu.memory_space<hbm>>
    %dma_wait3A_348 = tpu.memref_squeeze %dma_wait3A_347 : memref<1x125x1x128xf32, #tpu.memory_space<hbm>> -> memref<125x128xf32, #tpu.memory_space<hbm>>
    tpu.wait_dma2 semaphore(%arg9 : memref<!tpu.dma_semaphore, #tpu.memory_space<semaphore_mem>>) src(%dma_wait3A_348 : memref<125x128xf32, #tpu.memory_space<hbm>>) dst(%dma_wait3A_344 : memref<125x128xf32, #tpu.memory_space<vmem>>)
    %parallel_loop3A_349 = arith.constant 0 : i32
    %parallel_loop3A_350 = arith.constant 125 : i32
    %parallel_loop3A_351 = arith.constant 1 : i32
    scf.for %parallel_loop3A_392 = %parallel_loop3A_349 to %parallel_loop3A_350 step %parallel_loop3A_351  : i32 {
      %parallel_loop3A_393 = arith.constant 1 : i32
      %parallel_loop3A_394 = arith.index_cast %parallel_loop3A_393 : i32 to index
      %parallel_loop3A_395 = arith.index_cast %parallel_loop3A_392 : i32 to index
      %parallel_loop3A_396 = arith.constant 0 : index
      %parallel_loop3A_397 = tpu.vector_load %arg6[%parallel_loop3A_394, %parallel_loop3A_395, %parallel_loop3A_396] {strides = array<i32>} : memref<2x125x128xi32, #tpu.memory_space<vmem>>, vector<16xi32>,
      %parallel_loop3A_398 = arith.constant 1 : i32
      %parallel_loop3A_399 = arith.index_cast %parallel_loop3A_398 : i32 to index
      %parallel_loop3A_400 = arith.index_cast %parallel_loop3A_392 : i32 to index
      %parallel_loop3A_401 = arith.constant 0 : index
      %parallel_loop3A_402 = tpu.vector_load %arg7[%parallel_loop3A_399, %parallel_loop3A_400, %parallel_loop3A_401] {strides = array<i32>} : memref<2x125x128xf32, #tpu.memory_space<vmem>>, vector<16xf32>,
      tpu.vector_store_idx %arg8[%parallel_loop3A_397], %parallel_loop3A_402 {add = true} : memref<10240xf32, #tpu.memory_space<vmem>>[vector<16xi32>], vector<16xf32>,
      %parallel_loop3A_403 = arith.constant 1 : i32
      %parallel_loop3A_404 = arith.index_cast %parallel_loop3A_403 : i32 to index
      %parallel_loop3A_405 = arith.index_cast %parallel_loop3A_392 : i32 to index
      %parallel_loop3A_406 = arith.constant 16 : index
      %parallel_loop3A_407 = tpu.vector_load %arg6[%parallel_loop3A_404, %parallel_loop3A_405, %parallel_loop3A_406] {strides = array<i32>} : memref<2x125x128xi32, #tpu.memory_space<vmem>>, vector<16xi32>,
      %parallel_loop3A_408 = arith.constant 1 : i32
      %parallel_loop3A_409 = arith.index_cast %parallel_loop3A_408 : i32 to index
      %parallel_loop3A_410 = arith.index_cast %parallel_loop3A_392 : i32 to index
      %parallel_loop3A_411 = arith.constant 16 : index
      %parallel_loop3A_412 = tpu.vector_load %arg7[%parallel_loop3A_409, %parallel_loop3A_410, %parallel_loop3A_411] {strides = array<i32>} : memref<2x125x128xf32, #tpu.memory_space<vmem>>, vector<16xf32>,
      tpu.vector_store_idx %arg8[%parallel_loop3A_407], %parallel_loop3A_412 {add = true} : memref<10240xf32, #tpu.memory_space<vmem>>[vector<16xi32>], vector<16xf32>,
      %parallel_loop3A_413 = arith.constant 1 : i32
      %parallel_loop3A_414 = arith.index_cast %parallel_loop3A_413 : i32 to index
      %parallel_loop3A_415 = arith.index_cast %parallel_loop3A_392 : i32 to index
      %parallel_loop3A_416 = arith.constant 32 : index
      %parallel_loop3A_417 = tpu.vector_load %arg6[%parallel_loop3A_414, %parallel_loop3A_415, %parallel_loop3A_416] {strides = array<i32>} : memref<2x125x128xi32, #tpu.memory_space<vmem>>, vector<16xi32>,
      %parallel_loop3A_418 = arith.constant 1 : i32
      %parallel_loop3A_419 = arith.index_cast %parallel_loop3A_418 : i32 to index
      %parallel_loop3A_420 = arith.index_cast %parallel_loop3A_392 : i32 to index
      %parallel_loop3A_421 = arith.constant 32 : index
      %parallel_loop3A_422 = tpu.vector_load %arg7[%parallel_loop3A_419, %parallel_loop3A_420, %parallel_loop3A_421] {strides = array<i32>} : memref<2x125x128xf32, #tpu.memory_space<vmem>>, vector<16xf32>,
      tpu.vector_store_idx %arg8[%parallel_loop3A_417], %parallel_loop3A_422 {add = true} : memref<10240xf32, #tpu.memory_space<vmem>>[vector<16xi32>], vector<16xf32>,
      %parallel_loop3A_423 = arith.constant 1 : i32
      %parallel_loop3A_424 = arith.index_cast %parallel_loop3A_423 : i32 to index
      %parallel_loop3A_425 = arith.index_cast %parallel_loop3A_392 : i32 to index
      %parallel_loop3A_426 = arith.constant 48 : index
      %parallel_loop3A_427 = tpu.vector_load %arg6[%parallel_loop3A_424, %parallel_loop3A_425, %parallel_loop3A_426] {strides = array<i32>} : memref<2x125x128xi32, #tpu.memory_space<vmem>>, vector<16xi32>,
      %parallel_loop3A_428 = arith.constant 1 : i32
      %parallel_loop3A_429 = arith.index_cast %parallel_loop3A_428 : i32 to index
      %parallel_loop3A_430 = arith.index_cast %parallel_loop3A_392 : i32 to index
      %parallel_loop3A_431 = arith.constant 48 : index
      %parallel_loop3A_432 = tpu.vector_load %arg7[%parallel_loop3A_429, %parallel_loop3A_430, %parallel_loop3A_431] {strides = array<i32>} : memref<2x125x128xf32, #tpu.memory_space<vmem>>, vector<16xf32>,
      tpu.vector_store_idx %arg8[%parallel_loop3A_427], %parallel_loop3A_432 {add = true} : memref<10240xf32, #tpu.memory_space<vmem>>[vector<16xi32>], vector<16xf32>,
      %parallel_loop3A_433 = arith.constant 1 : i32
      %parallel_loop3A_434 = arith.index_cast %parallel_loop3A_433 : i32 to index
      %parallel_loop3A_435 = arith.index_cast %parallel_loop3A_392 : i32 to index
      %parallel_loop3A_436 = arith.constant 64 : index
      %parallel_loop3A_437 = tpu.vector_load %arg6[%parallel_loop3A_434, %parallel_loop3A_435, %parallel_loop3A_436] {strides = array<i32>} : memref<2x125x128xi32, #tpu.memory_space<vmem>>, vector<16xi32>,
      %parallel_loop3A_438 = arith.constant 1 : i32
      %parallel_loop3A_439 = arith.index_cast %parallel_loop3A_438 : i32 to index
      %parallel_loop3A_440 = arith.index_cast %parallel_loop3A_392 : i32 to index
      %parallel_loop3A_441 = arith.constant 64 : index
      %parallel_loop3A_442 = tpu.vector_load %arg7[%parallel_loop3A_439, %parallel_loop3A_440, %parallel_loop3A_441] {strides = array<i32>} : memref<2x125x128xf32, #tpu.memory_space<vmem>>, vector<16xf32>,
      tpu.vector_store_idx %arg8[%parallel_loop3A_437], %parallel_loop3A_442 {add = true} : memref<10240xf32, #tpu.memory_space<vmem>>[vector<16xi32>], vector<16xf32>,
      %parallel_loop3A_443 = arith.constant 1 : i32
      %parallel_loop3A_444 = arith.index_cast %parallel_loop3A_443 : i32 to index
      %parallel_loop3A_445 = arith.index_cast %parallel_loop3A_392 : i32 to index
      %parallel_loop3A_446 = arith.constant 80 : index
      %parallel_loop3A_447 = tpu.vector_load %arg6[%parallel_loop3A_444, %parallel_loop3A_445, %parallel_loop3A_446] {strides = array<i32>} : memref<2x125x128xi32, #tpu.memory_space<vmem>>, vector<16xi32>,
      %parallel_loop3A_448 = arith.constant 1 : i32
      %parallel_loop3A_449 = arith.index_cast %parallel_loop3A_448 : i32 to index
      %parallel_loop3A_450 = arith.index_cast %parallel_loop3A_392 : i32 to index
      %parallel_loop3A_451 = arith.constant 80 : index
      %parallel_loop3A_452 = tpu.vector_load %arg7[%parallel_loop3A_449, %parallel_loop3A_450, %parallel_loop3A_451] {strides = array<i32>} : memref<2x125x128xf32, #tpu.memory_space<vmem>>, vector<16xf32>,
      tpu.vector_store_idx %arg8[%parallel_loop3A_447], %parallel_loop3A_452 {add = true} : memref<10240xf32, #tpu.memory_space<vmem>>[vector<16xi32>], vector<16xf32>,
      %parallel_loop3A_453 = arith.constant 1 : i32
      %parallel_loop3A_454 = arith.index_cast %parallel_loop3A_453 : i32 to index
      %parallel_loop3A_455 = arith.index_cast %parallel_loop3A_392 : i32 to index
      %parallel_loop3A_456 = arith.constant 96 : index
      %parallel_loop3A_457 = tpu.vector_load %arg6[%parallel_loop3A_454, %parallel_loop3A_455, %parallel_loop3A_456] {strides = array<i32>} : memref<2x125x128xi32, #tpu.memory_space<vmem>>, vector<16xi32>,
      %parallel_loop3A_458 = arith.constant 1 : i32
      %parallel_loop3A_459 = arith.index_cast %parallel_loop3A_458 : i32 to index
      %parallel_loop3A_460 = arith.index_cast %parallel_loop3A_392 : i32 to index
      %parallel_loop3A_461 = arith.constant 96 : index
      %parallel_loop3A_462 = tpu.vector_load %arg7[%parallel_loop3A_459, %parallel_loop3A_460, %parallel_loop3A_461] {strides = array<i32>} : memref<2x125x128xf32, #tpu.memory_space<vmem>>, vector<16xf32>,
      tpu.vector_store_idx %arg8[%parallel_loop3A_457], %parallel_loop3A_462 {add = true} : memref<10240xf32, #tpu.memory_space<vmem>>[vector<16xi32>], vector<16xf32>,
      %parallel_loop3A_463 = arith.constant 1 : i32
      %parallel_loop3A_464 = arith.index_cast %parallel_loop3A_463 : i32 to index
      %parallel_loop3A_465 = arith.index_cast %parallel_loop3A_392 : i32 to index
      %parallel_loop3A_466 = arith.constant 112 : index
      %parallel_loop3A_467 = tpu.vector_load %arg6[%parallel_loop3A_464, %parallel_loop3A_465, %parallel_loop3A_466] {strides = array<i32>} : memref<2x125x128xi32, #tpu.memory_space<vmem>>, vector<16xi32>,
      %parallel_loop3A_468 = arith.constant 1 : i32
      %parallel_loop3A_469 = arith.index_cast %parallel_loop3A_468 : i32 to index
      %parallel_loop3A_470 = arith.index_cast %parallel_loop3A_392 : i32 to index
      %parallel_loop3A_471 = arith.constant 112 : index
      %parallel_loop3A_472 = tpu.vector_load %arg7[%parallel_loop3A_469, %parallel_loop3A_470, %parallel_loop3A_471] {strides = array<i32>} : memref<2x125x128xf32, #tpu.memory_space<vmem>>, vector<16xf32>,
      tpu.vector_store_idx %arg8[%parallel_loop3A_467], %parallel_loop3A_472 {add = true} : memref<10240xf32, #tpu.memory_space<vmem>>[vector<16xi32>], vector<16xf32>,
    } {sc.loop_unroll_factor = 2 : i64, sc.parallel_access}
    %dma_wait3A_352 = arith.constant 1 : i32
    %dma_wait3A_353 = arith.constant 0 : i32
    %dma_wait3A_354 = arith.constant 0 : i32
    %dma_wait3A_355 = arith.constant 0 : i32
    %dma_wait3A_356 = tpu.memref_slice %arg6[%dma_wait3A_353, %dma_wait3A_354, %dma_wait3A_355] : memref<2x125x128xi32, #tpu.memory_space<vmem>> -> memref<1x125x128xi32, #tpu.memory_space<vmem>>
    %dma_wait3A_357 = tpu.memref_squeeze %dma_wait3A_356 : memref<1x125x128xi32, #tpu.memory_space<vmem>> -> memref<125x128xi32, #tpu.memory_space<vmem>>
    %dma_wait3A_358 = arith.constant 0 : i32
    %dma_wait3A_359 = arith.constant 0 : i32
    %dma_wait3A_360 = tpu.memref_slice %arg2[%dma_wait3A_358, %dma_wait3A_352, %dma_wait3A_359] : memref<1250x2x128xi32, #tpu.memory_space<hbm>> -> memref<125x1x128xi32, #tpu.memory_space<hbm>>
    %dma_wait3A_361 = tpu.memref_squeeze %dma_wait3A_360 : memref<125x1x128xi32, #tpu.memory_space<hbm>> -> memref<125x128xi32, #tpu.memory_space<hbm>>
    %dma_wait3A_362 = arith.constant 0 : i32
    %dma_wait3A_363 = arith.constant 0 : i32
    %dma_wait3A_364 = tpu.memref_slice %arg6[%dma_wait3A_353, %dma_wait3A_362, %dma_wait3A_363] : memref<2x125x128xi32, #tpu.memory_space<vmem>> -> memref<1x125x128xi32, #tpu.memory_space<vmem>>
    %dma_wait3A_365 = tpu.memref_squeeze %dma_wait3A_364 : memref<1x125x128xi32, #tpu.memory_space<vmem>> -> memref<125x128xi32, #tpu.memory_space<vmem>>
    %dma_wait3A_366 = arith.constant 0 : i32
    %dma_wait3A_367 = arith.constant 0 : i32
    %dma_wait3A_368 = tpu.memref_slice %arg2[%dma_wait3A_366, %dma_wait3A_352, %dma_wait3A_367] : memref<1250x2x128xi32, #tpu.memory_space<hbm>> -> memref<125x1x128xi32, #tpu.memory_space<hbm>>
    %dma_wait3A_369 = tpu.memref_squeeze %dma_wait3A_368 : memref<125x1x128xi32, #tpu.memory_space<hbm>> -> memref<125x128xi32, #tpu.memory_space<hbm>>
    tpu.wait_dma2 semaphore(%arg9 : memref<!tpu.dma_semaphore, #tpu.memory_space<semaphore_mem>>) src(%dma_wait3A_369 : memref<125x128xi32, #tpu.memory_space<hbm>>) dst(%dma_wait3A_365 : memref<125x128xi32, #tpu.memory_space<vmem>>)
    %dma_wait3A_370 = arith.constant 0 : i32
    %dma_wait3A_371 = arith.constant 0 : i32
    %dma_wait3A_372 = arith.constant 0 : i32
    %dma_wait3A_373 = arith.constant 0 : i32
    %dma_wait3A_374 = arith.constant 0 : i32
    %dma_wait3A_375 = tpu.memref_slice %arg7[%dma_wait3A_372, %dma_wait3A_373, %dma_wait3A_374] : memref<2x125x128xf32, #tpu.memory_space<vmem>> -> memref<1x125x128xf32, #tpu.memory_space<vmem>>
    %dma_wait3A_376 = tpu.memref_squeeze %dma_wait3A_375 : memref<1x125x128xf32, #tpu.memory_space<vmem>> -> memref<125x128xf32, #tpu.memory_space<vmem>>
    %dma_wait3A_377 = arith.constant 0 : i32
    %dma_wait3A_378 = arith.constant 0 : i32
    %dma_wait3A_379 = tpu.memref_slice %arg3[%dma_wait3A_370, %dma_wait3A_377, %dma_wait3A_371, %dma_wait3A_378] : memref<2x1250x8x128xf32, #tpu.memory_space<hbm>> -> memref<1x125x1x128xf32, #tpu.memory_space<hbm>>
    %dma_wait3A_380 = tpu.memref_squeeze %dma_wait3A_379 : memref<1x125x1x128xf32, #tpu.memory_space<hbm>> -> memref<125x128xf32, #tpu.memory_space<hbm>>
    %dma_wait3A_381 = arith.constant 0 : i32
    %dma_wait3A_382 = arith.constant 0 : i32
    %dma_wait3A_383 = tpu.memref_slice %arg7[%dma_wait3A_372, %dma_wait3A_381, %dma_wait3A_382] : memref<2x125x128xf32, #tpu.memory_space<vmem>> -> memref<1x125x128xf32, #tpu.memory_space<vmem>>
    %dma_wait3A_384 = tpu.memref_squeeze %dma_wait3A_383 : memref<1x125x128xf32, #tpu.memory_space<vmem>> -> memref<125x128xf32, #tpu.memory_space<vmem>>
    %dma_wait3A_385 = arith.constant 0 : i32
    %dma_wait3A_386 = arith.constant 0 : i32
    %dma_wait3A_387 = tpu.memref_slice %arg3[%dma_wait3A_370, %dma_wait3A_385, %dma_wait3A_371, %dma_wait3A_386] : memref<2x1250x8x128xf32, #tpu.memory_space<hbm>> -> memref<1x125x1x128xf32, #tpu.memory_space<hbm>>
    %dma_wait3A_388 = tpu.memref_squeeze %dma_wait3A_387 : memref<1x125x1x128xf32, #tpu.memory_space<hbm>> -> memref<125x128xf32, #tpu.memory_space<hbm>>
    tpu.wait_dma2 semaphore(%arg9 : memref<!tpu.dma_semaphore, #tpu.memory_space<semaphore_mem>>) src(%dma_wait3A_388 : memref<125x128xf32, #tpu.memory_space<hbm>>) dst(%dma_wait3A_384 : memref<125x128xf32, #tpu.memory_space<vmem>>)
    %parallel_loop3A_389 = arith.constant 0 : i32
    %parallel_loop3A_390 = arith.constant 125 : i32
    %parallel_loop3A_391 = arith.constant 1 : i32
    scf.for %parallel_loop3A_392 = %parallel_loop3A_389 to %parallel_loop3A_390 step %parallel_loop3A_391  : i32 {
      %parallel_loop3A_393 = arith.constant 0 : i32
      %parallel_loop3A_394 = arith.index_cast %parallel_loop3A_393 : i32 to index
      %parallel_loop3A_395 = arith.index_cast %parallel_loop3A_392 : i32 to index
      %parallel_loop3A_396 = arith.constant 0 : index
      %parallel_loop3A_397 = tpu.vector_load %arg6[%parallel_loop3A_394, %parallel_loop3A_395, %parallel_loop3A_396] {strides = array<i32>} : memref<2x125x128xi32, #tpu.memory_space<vmem>>, vector<16xi32>,
      %parallel_loop3A_398 = arith.constant 0 : i32
      %parallel_loop3A_399 = arith.index_cast %parallel_loop3A_398 : i32 to index
      %parallel_loop3A_400 = arith.index_cast %parallel_loop3A_392 : i32 to index
      %parallel_loop3A_401 = arith.constant 0 : index
      %parallel_loop3A_402 = tpu.vector_load %arg7[%parallel_loop3A_399, %parallel_loop3A_400, %parallel_loop3A_401] {strides = array<i32>} : memref<2x125x128xf32, #tpu.memory_space<vmem>>, vector<16xf32>,
      tpu.vector_store_idx %arg8[%parallel_loop3A_397], %parallel_loop3A_402 {add = true} : memref<10240xf32, #tpu.memory_space<vmem>>[vector<16xi32>], vector<16xf32>,
      %parallel_loop3A_403 = arith.constant 0 : i32
      %parallel_loop3A_404 = arith.index_cast %parallel_loop3A_403 : i32 to index
      %parallel_loop3A_405 = arith.index_cast %parallel_loop3A_392 : i32 to index
      %parallel_loop3A_406 = arith.constant 16 : index
      %parallel_loop3A_407 = tpu.vector_load %arg6[%parallel_loop3A_404, %parallel_loop3A_405, %parallel_loop3A_406] {strides = array<i32>} : memref<2x125x128xi32, #tpu.memory_space<vmem>>, vector<16xi32>,
      %parallel_loop3A_408 = arith.constant 0 : i32
      %parallel_loop3A_409 = arith.index_cast %parallel_loop3A_408 : i32 to index
      %parallel_loop3A_410 = arith.index_cast %parallel_loop3A_392 : i32 to index
      %parallel_loop3A_411 = arith.constant 16 : index
      %parallel_loop3A_412 = tpu.vector_load %arg7[%parallel_loop3A_409, %parallel_loop3A_410, %parallel_loop3A_411] {strides = array<i32>} : memref<2x125x128xf32, #tpu.memory_space<vmem>>, vector<16xf32>,
      tpu.vector_store_idx %arg8[%parallel_loop3A_407], %parallel_loop3A_412 {add = true} : memref<10240xf32, #tpu.memory_space<vmem>>[vector<16xi32>], vector<16xf32>,
      %parallel_loop3A_413 = arith.constant 0 : i32
      %parallel_loop3A_414 = arith.index_cast %parallel_loop3A_413 : i32 to index
      %parallel_loop3A_415 = arith.index_cast %parallel_loop3A_392 : i32 to index
      %parallel_loop3A_416 = arith.constant 32 : index
      %parallel_loop3A_417 = tpu.vector_load %arg6[%parallel_loop3A_414, %parallel_loop3A_415, %parallel_loop3A_416] {strides = array<i32>} : memref<2x125x128xi32, #tpu.memory_space<vmem>>, vector<16xi32>,
      %parallel_loop3A_418 = arith.constant 0 : i32
      %parallel_loop3A_419 = arith.index_cast %parallel_loop3A_418 : i32 to index
      %parallel_loop3A_420 = arith.index_cast %parallel_loop3A_392 : i32 to index
      %parallel_loop3A_421 = arith.constant 32 : index
      %parallel_loop3A_422 = tpu.vector_load %arg7[%parallel_loop3A_419, %parallel_loop3A_420, %parallel_loop3A_421] {strides = array<i32>} : memref<2x125x128xf32, #tpu.memory_space<vmem>>, vector<16xf32>,
      tpu.vector_store_idx %arg8[%parallel_loop3A_417], %parallel_loop3A_422 {add = true} : memref<10240xf32, #tpu.memory_space<vmem>>[vector<16xi32>], vector<16xf32>,
      %parallel_loop3A_423 = arith.constant 0 : i32
      %parallel_loop3A_424 = arith.index_cast %parallel_loop3A_423 : i32 to index
      %parallel_loop3A_425 = arith.index_cast %parallel_loop3A_392 : i32 to index
      %parallel_loop3A_426 = arith.constant 48 : index
      %parallel_loop3A_427 = tpu.vector_load %arg6[%parallel_loop3A_424, %parallel_loop3A_425, %parallel_loop3A_426] {strides = array<i32>} : memref<2x125x128xi32, #tpu.memory_space<vmem>>, vector<16xi32>,
      %parallel_loop3A_428 = arith.constant 0 : i32
      %parallel_loop3A_429 = arith.index_cast %parallel_loop3A_428 : i32 to index
      %parallel_loop3A_430 = arith.index_cast %parallel_loop3A_392 : i32 to index
      %parallel_loop3A_431 = arith.constant 48 : index
      %parallel_loop3A_432 = tpu.vector_load %arg7[%parallel_loop3A_429, %parallel_loop3A_430, %parallel_loop3A_431] {strides = array<i32>} : memref<2x125x128xf32, #tpu.memory_space<vmem>>, vector<16xf32>,
      tpu.vector_store_idx %arg8[%parallel_loop3A_427], %parallel_loop3A_432 {add = true} : memref<10240xf32, #tpu.memory_space<vmem>>[vector<16xi32>], vector<16xf32>,
      %parallel_loop3A_433 = arith.constant 0 : i32
      %parallel_loop3A_434 = arith.index_cast %parallel_loop3A_433 : i32 to index
      %parallel_loop3A_435 = arith.index_cast %parallel_loop3A_392 : i32 to index
      %parallel_loop3A_436 = arith.constant 64 : index
      %parallel_loop3A_437 = tpu.vector_load %arg6[%parallel_loop3A_434, %parallel_loop3A_435, %parallel_loop3A_436] {strides = array<i32>} : memref<2x125x128xi32, #tpu.memory_space<vmem>>, vector<16xi32>,
      %parallel_loop3A_438 = arith.constant 0 : i32
      %parallel_loop3A_439 = arith.index_cast %parallel_loop3A_438 : i32 to index
      %parallel_loop3A_440 = arith.index_cast %parallel_loop3A_392 : i32 to index
      %parallel_loop3A_441 = arith.constant 64 : index
      %parallel_loop3A_442 = tpu.vector_load %arg7[%parallel_loop3A_439, %parallel_loop3A_440, %parallel_loop3A_441] {strides = array<i32>} : memref<2x125x128xf32, #tpu.memory_space<vmem>>, vector<16xf32>,
      tpu.vector_store_idx %arg8[%parallel_loop3A_437], %parallel_loop3A_442 {add = true} : memref<10240xf32, #tpu.memory_space<vmem>>[vector<16xi32>], vector<16xf32>,
      %parallel_loop3A_443 = arith.constant 0 : i32
      %parallel_loop3A_444 = arith.index_cast %parallel_loop3A_443 : i32 to index
      %parallel_loop3A_445 = arith.index_cast %parallel_loop3A_392 : i32 to index
      %parallel_loop3A_446 = arith.constant 80 : index
      %parallel_loop3A_447 = tpu.vector_load %arg6[%parallel_loop3A_444, %parallel_loop3A_445, %parallel_loop3A_446] {strides = array<i32>} : memref<2x125x128xi32, #tpu.memory_space<vmem>>, vector<16xi32>,
      %parallel_loop3A_448 = arith.constant 0 : i32
      %parallel_loop3A_449 = arith.index_cast %parallel_loop3A_448 : i32 to index
      %parallel_loop3A_450 = arith.index_cast %parallel_loop3A_392 : i32 to index
      %parallel_loop3A_451 = arith.constant 80 : index
      %parallel_loop3A_452 = tpu.vector_load %arg7[%parallel_loop3A_449, %parallel_loop3A_450, %parallel_loop3A_451] {strides = array<i32>} : memref<2x125x128xf32, #tpu.memory_space<vmem>>, vector<16xf32>,
      tpu.vector_store_idx %arg8[%parallel_loop3A_447], %parallel_loop3A_452 {add = true} : memref<10240xf32, #tpu.memory_space<vmem>>[vector<16xi32>], vector<16xf32>,
      %parallel_loop3A_453 = arith.constant 0 : i32
      %parallel_loop3A_454 = arith.index_cast %parallel_loop3A_453 : i32 to index
      %parallel_loop3A_455 = arith.index_cast %parallel_loop3A_392 : i32 to index
      %parallel_loop3A_456 = arith.constant 96 : index
      %parallel_loop3A_457 = tpu.vector_load %arg6[%parallel_loop3A_454, %parallel_loop3A_455, %parallel_loop3A_456] {strides = array<i32>} : memref<2x125x128xi32, #tpu.memory_space<vmem>>, vector<16xi32>,
      %parallel_loop3A_458 = arith.constant 0 : i32
      %parallel_loop3A_459 = arith.index_cast %parallel_loop3A_458 : i32 to index
      %parallel_loop3A_460 = arith.index_cast %parallel_loop3A_392 : i32 to index
      %parallel_loop3A_461 = arith.constant 96 : index
      %parallel_loop3A_462 = tpu.vector_load %arg7[%parallel_loop3A_459, %parallel_loop3A_460, %parallel_loop3A_461] {strides = array<i32>} : memref<2x125x128xf32, #tpu.memory_space<vmem>>, vector<16xf32>,
      tpu.vector_store_idx %arg8[%parallel_loop3A_457], %parallel_loop3A_462 {add = true} : memref<10240xf32, #tpu.memory_space<vmem>>[vector<16xi32>], vector<16xf32>,
      %parallel_loop3A_463 = arith.constant 0 : i32
      %parallel_loop3A_464 = arith.index_cast %parallel_loop3A_463 : i32 to index
      %parallel_loop3A_465 = arith.index_cast %parallel_loop3A_392 : i32 to index
      %parallel_loop3A_466 = arith.constant 112 : index
      %parallel_loop3A_467 = tpu.vector_load %arg6[%parallel_loop3A_464, %parallel_loop3A_465, %parallel_loop3A_466] {strides = array<i32>} : memref<2x125x128xi32, #tpu.memory_space<vmem>>, vector<16xi32>,
      %parallel_loop3A_468 = arith.constant 0 : i32
      %parallel_loop3A_469 = arith.index_cast %parallel_loop3A_468 : i32 to index
      %parallel_loop3A_470 = arith.index_cast %parallel_loop3A_392 : i32 to index
      %parallel_loop3A_471 = arith.constant 112 : index
      %parallel_loop3A_472 = tpu.vector_load %arg7[%parallel_loop3A_469, %parallel_loop3A_470, %parallel_loop3A_471] {strides = array<i32>} : memref<2x125x128xf32, #tpu.memory_space<vmem>>, vector<16xf32>,
      tpu.vector_store_idx %arg8[%parallel_loop3A_467], %parallel_loop3A_472 {add = true} : memref<10240xf32, #tpu.memory_space<vmem>>[vector<16xi32>], vector<16xf32>,
    } {sc.loop_unroll_factor = 2 : i64, sc.parallel_access}
    "tpu.region"() ({
      %run_scoped3A = tpu.sem_alloc : memref<!tpu.dma_semaphore, #tpu.memory_space<semaphore_mem>>
      %dma_start3A_392 = arith.constant 0 : i32
      %dma_start3A_393 = tpu.memref_slice %arg5[%arg0, %arg1, %dma_start3A_392] : memref<2x16x10240xf32, #tpu.memory_space<hbm>> -> memref<1x1x10240xf32, #tpu.memory_space<hbm>>
      %dma_start3A_394 = tpu.memref_squeeze %dma_start3A_393 : memref<1x1x10240xf32, #tpu.memory_space<hbm>> -> memref<10240xf32, #tpu.memory_space<hbm>>
      %dma_start3A_395 = arith.constant 0 : i32
      %dma_start3A_396 = tpu.memref_slice %arg5[%arg0, %arg1, %dma_start3A_395] : memref<2x16x10240xf32, #tpu.memory_space<hbm>> -> memref<1x1x10240xf32, #tpu.memory_space<hbm>>
      %dma_start3A_397 = tpu.memref_squeeze %dma_start3A_396 : memref<1x1x10240xf32, #tpu.memory_space<hbm>> -> memref<10240xf32, #tpu.memory_space<hbm>>
      tpu.enqueue_dma source(%arg8 : memref<10240xf32, #tpu.memory_space<vmem>>) target(%dma_start3A_397 : memref<10240xf32, #tpu.memory_space<hbm>>) target_semaphore(%run_scoped3A : memref<!tpu.dma_semaphore, #tpu.memory_space<semaphore_mem>>)
      %dma_wait3A_398 = arith.constant 0 : i32
      %dma_wait3A_399 = tpu.memref_slice %arg5[%arg0, %arg1, %dma_wait3A_398] : memref<2x16x10240xf32, #tpu.memory_space<hbm>> -> memref<1x1x10240xf32, #tpu.memory_space<hbm>>
      %dma_wait3A_400 = tpu.memref_squeeze %dma_wait3A_399 : memref<1x1x10240xf32, #tpu.memory_space<hbm>> -> memref<10240xf32, #tpu.memory_space<hbm>>
      %dma_wait3A_401 = arith.constant 0 : i32
      %dma_wait3A_402 = tpu.memref_slice %arg5[%arg0, %arg1, %dma_wait3A_401] : memref<2x16x10240xf32, #tpu.memory_space<hbm>> -> memref<1x1x10240xf32, #tpu.memory_space<hbm>>
      %dma_wait3A_403 = tpu.memref_squeeze %dma_wait3A_402 : memref<1x1x10240xf32, #tpu.memory_space<hbm>> -> memref<10240xf32, #tpu.memory_space<hbm>>
      tpu.wait_dma2 semaphore(%run_scoped3A : memref<!tpu.dma_semaphore, #tpu.memory_space<semaphore_mem>>) src(%arg8 : memref<10240xf32, #tpu.memory_space<vmem>>) dst(%dma_wait3A_403 : memref<10240xf32, #tpu.memory_space<hbm>>)
      tpu.yield
    }) : () -> ()
    return
  }
}

module attributes {stable_mosaic.version = 14 : i64} {
  func.func @_mm1_body(%arg0: i32, %arg1: memref<2000x256xf32, #tpu.memory_space<vmem>>, %arg2: memref<256x256xf32, #tpu.memory_space<vmem>>, %arg3: memref<1x256xf32, #tpu.memory_space<vmem>>, %arg4: memref<2000x256xf32, #tpu.memory_space<vmem>>) attributes {dimension_semantics = [#tpu.dimension_semantics<arbitrary>], iteration_bounds = array<i64: 5>, scalar_prefetch = 0 : i64, scratch_operands = 0 : i64, tpu.core_type = #tpu.core_type<tc>, window_params = [{transform_indices = @transform_0, window_bounds = array<i64: 2000, 256>}, {pipeline_mode = #tpu.pipeline_mode<synchronous>, transform_indices = @transform_1, window_bounds = array<i64: 256, 256>}, {pipeline_mode = #tpu.pipeline_mode<synchronous>, transform_indices = @transform_2, window_bounds = array<i64: 1, 256>}, {transform_indices = @transform_3, window_bounds = array<i64: 2000, 256>}]} {
    %get3A = arith.constant 0 : index
    %get3A_0 = arith.constant 0 : index
    %get3A_1 = vector.load %arg1[%get3A, %get3A_0] : memref<2000x256xf32, #tpu.memory_space<vmem>>, vector<2000x256xf32>
    %get3A_2 = arith.constant 0 : index
    %get3A_3 = arith.constant 0 : index
    %get3A_4 = vector.load %arg2[%get3A_2, %get3A_3] : memref<256x256xf32, #tpu.memory_space<vmem>>, vector<256x256xf32>
    %dot_general3A = arith.constant dense<0.000000e+00> : vector<2000x256xf32>
    %dot_general3A_5 = tpu.matmul %get3A_1, %get3A_4, %dot_general3A {dimension_numbers = #tpu.dot_dimension_numbers<[1], [0], [0], [1], [0, 0, 1, 1], [], []>, transpose_lhs_hint = false} : vector<2000x256xf32>, vector<256x256xf32>, vector<2000x256xf32> -> vector<2000x256xf32>
    %get3A_6 = arith.constant 0 : index
    %get3A_7 = arith.constant 0 : index
    %get3A_8 = vector.load %arg3[%get3A_6, %get3A_7] : memref<1x256xf32, #tpu.memory_space<vmem>>, vector<1x256xf32>
    %add3A = vector.broadcast %get3A_8 : vector<1x256xf32> to vector<2000x256xf32>
    %add3A_9 = arith.addf %dot_general3A_5, %add3A : vector<2000x256xf32>
    %swap3A = arith.constant 0 : index
    %swap3A_10 = arith.constant 0 : index
    %swap3A_11 = vector.load %arg4[%swap3A, %swap3A_10] : memref<2000x256xf32, #tpu.memory_space<vmem>>, vector<2000x256xf32>
    tpu.vector_store %arg4[%swap3A, %swap3A_10], %add3A_9 {strides = array<i32>} : memref<2000x256xf32, #tpu.memory_space<vmem>>, vector<2000x256xf32>,
    return
  }
  func.func @transform_0(%arg0: i32) -> (i32, i32) {
    %c0_i32 = arith.constant 0 : i32
    %c0_i32_0 = arith.constant 0 : i32
    return %arg0, %c0_i32 : i32, i32
  }
  func.func @transform_1(%arg0: i32) -> (i32, i32) {
    %c0_i32 = arith.constant 0 : i32
    %c0_i32_0 = arith.constant 0 : i32
    %c0_i32_1 = arith.constant 0 : i32
    return %c0_i32, %c0_i32_0 : i32, i32
  }
  func.func @transform_2(%arg0: i32) -> (i32, i32) {
    %c0_i32 = arith.constant 0 : i32
    %c0_i32_0 = arith.constant 0 : i32
    %c0_i32_1 = arith.constant 0 : i32
    return %c0_i32, %c0_i32_0 : i32, i32
  }
  func.func @transform_3(%arg0: i32) -> (i32, i32) {
    %c0_i32 = arith.constant 0 : i32
    %c0_i32_0 = arith.constant 0 : i32
    return %arg0, %c0_i32 : i32, i32
  }
}

module attributes {stable_mosaic.version = 14 : i64} {
  func.func @_mm2_body(%arg0: i32, %arg1: memref<2560x256xf32, #tpu.memory_space<vmem>>, %arg2: memref<2x16x2560xf32, #tpu.memory_space<vmem>>, %arg3: memref<16x256xf32, #tpu.memory_space<vmem>>, %arg4: memref<2560x256xf32, #tpu.memory_space<vmem>>) attributes {dimension_semantics = [#tpu.dimension_semantics<arbitrary>], iteration_bounds = array<i64: 4>, scalar_prefetch = 0 : i64, scratch_operands = 0 : i64, tpu.core_type = #tpu.core_type<tc>, window_params = [{transform_indices = @transform_0, window_bounds = array<i64: 2560, 256>}, {transform_indices = @transform_1, window_bounds = array<i64: 2, 16, 2560>}, {pipeline_mode = #tpu.pipeline_mode<synchronous>, transform_indices = @transform_2, window_bounds = array<i64: 16, 256>}, {transform_indices = @transform_3, window_bounds = array<i64: 2560, 256>}]} {
    %get3A = arith.constant 0 : index
    %get3A_0 = arith.constant 0 : index
    %get3A_1 = arith.constant 0 : index
    %get3A_2 = vector.load %arg2[%get3A, %get3A_0, %get3A_1] : memref<2x16x2560xf32, #tpu.memory_space<vmem>>, vector<1x16x2560xf32>
    %get3A_3 = vector.shape_cast %get3A_2 : vector<1x16x2560xf32> to vector<16x2560xf32>
    %get3A_4 = arith.constant 1 : index
    %get3A_5 = arith.constant 0 : index
    %get3A_6 = arith.constant 0 : index
    %get3A_7 = vector.load %arg2[%get3A_4, %get3A_5, %get3A_6] : memref<2x16x2560xf32, #tpu.memory_space<vmem>>, vector<1x16x2560xf32>
    %get3A_8 = vector.shape_cast %get3A_7 : vector<1x16x2560xf32> to vector<16x2560xf32>
    %add3A = arith.addf %get3A_3, %get3A_8 : vector<16x2560xf32>
    %get3A_9 = arith.constant 0 : index
    %get3A_10 = arith.constant 0 : index
    %get3A_11 = vector.load %arg3[%get3A_9, %get3A_10] : memref<16x256xf32, #tpu.memory_space<vmem>>, vector<16x256xf32>
    %dot_general3A = arith.constant dense<0.000000e+00> : vector<2560x256xf32>
    %dot_general3A_12 = tpu.matmul %add3A, %get3A_11, %dot_general3A {dimension_numbers = #tpu.dot_dimension_numbers<[0], [0], [1], [1], [0, 1, 1, 1], [], []>, transpose_lhs_hint = false} : vector<16x2560xf32>, vector<16x256xf32>, vector<2560x256xf32> -> vector<2560x256xf32>
    %get3A_13 = arith.constant 0 : index
    %get3A_14 = arith.constant 0 : index
    %get3A_15 = vector.load %arg1[%get3A_13, %get3A_14] : memref<2560x256xf32, #tpu.memory_space<vmem>>, vector<2560x256xf32>
    %add3A_16 = arith.addf %get3A_15, %dot_general3A_12 : vector<2560x256xf32>
    %swap3A = arith.constant 0 : index
    %swap3A_17 = arith.constant 0 : index
    %swap3A_18 = vector.load %arg4[%swap3A, %swap3A_17] : memref<2560x256xf32, #tpu.memory_space<vmem>>, vector<2560x256xf32>
    tpu.vector_store %arg4[%swap3A, %swap3A_17], %add3A_16 {strides = array<i32>} : memref<2560x256xf32, #tpu.memory_space<vmem>>, vector<2560x256xf32>,
    return
  }
  func.func @transform_0(%arg0: i32) -> (i32, i32) {
    %c0_i32 = arith.constant 0 : i32
    %c0_i32_0 = arith.constant 0 : i32
    return %arg0, %c0_i32 : i32, i32
  }
  func.func @transform_1(%arg0: i32) -> (i32, i32, i32) {
    %c0_i32 = arith.constant 0 : i32
    %c0_i32_0 = arith.constant 0 : i32
    %c0_i32_1 = arith.constant 0 : i32
    return %c0_i32, %c0_i32_0, %arg0 : i32, i32, i32
  }
  func.func @transform_2(%arg0: i32) -> (i32, i32) {
    %c0_i32 = arith.constant 0 : i32
    %c0_i32_0 = arith.constant 0 : i32
    %c0_i32_1 = arith.constant 0 : i32
    return %c0_i32, %c0_i32_0 : i32, i32
  }
  func.func @transform_3(%arg0: i32) -> (i32, i32) {
    %c0_i32 = arith.constant 0 : i32
    %c0_i32_0 = arith.constant 0 : i32
    return %arg0, %c0_i32 : i32, i32
  }
}

</mosaic_0001>

<sc_bundles>
// kernel: kernel.5.cloned.1.call-start
scs
__scs_entry_jumppad:
0x0: {  	(pc) =	sbr.rel $0x88, $3  }
0x1: {  	(tag) =	ssettag $0x0;
	lr =	simm.s32 $0x1  }
0x2: {  	[smem:$0x3F9C] =	sst lr;
	_ =	strace $0xD0000000  }
0x3: {  	_ = 	snop  }
0x4: {  	_ = 	snop  }
0x5: {  	_ = 	snop  }
0x6: {  	_ = 	snop  }
0x7: {  	_ = 	snop  }
__scs_overlays_trampoline_lowered:
0x8: {  	[smem:$0x3FAB] =	sst s0  }
0x9: {  	[smem:$0x3FAC] =	sst s1  }
0xa: {  	[smem:$0x3FAD] =	sst s2  }
0xb: {  	[smem:$0x3FAE] =	sst s3  }
0xc: {  	[smem:$0x3FAF] =	sst s4  }
0xd: {  	[smem:$0x3FB0] =	sst s5  }
0xe: {  	[smem:$0x3FB1] =	sst s6  }
0xf: {  	[smem:$0x3FB2] =	sst s7  }
0x10: {  	[smem:$0x3FB3] =	sst s8  }
0x11: {  	[smem:$0x3FB4] =	sst s9;
	s0 =	simm.s32 @!p0 $0x0  }
0x12: {  	s1 =	sld [smem:$0x3F9A];
	s0 =	simm.s32 @p0 $0x1  }
0x13: {  	[smem:$0x3FB5] =	sst s0;
	s0 =	simm.s32 @!p1 $0x0  }
0x14: {  	s2 =	sld [smem:$0x3F99];
	s0 =	simm.s32 @p1 $0x1  }
0x15: {  	[smem:$0x3FB6] =	sst s0;
	s0 =	simm.s32 @!p2 $0x0  }
0x16: {  	s3 =	sld [smem:$0x3FDB];
	s0 =	simm.s32 @p2 $0x1  }
0x17: {  	s4 =	simm.s32 $0x1BF5;
	[smem:$0x3FB8] =	sst s0  }
0x18: {  	s0 =	sld [smem:$0x3F9B];
	_ =	swait.ge [sflag:s4], $0x0  }
0x19: {  	s7 =	sld [smem:$0x3F9C]  }
0x1a: {  	s8 =	sadd.s32 $0xFFFFE003, lr  }
0x1b: {  	s9 =	sadd.s32 $0xFFFFFEF7, lr;
	s5 =	simm.s32 $0xFFFFFFFF;
	p2 =	slt.u32 s8, $0xFFFFF086  }
0x1c: {  	p1 =	slt.u32 s9, $0xF7A;
	s5 =	simm.s32 @!p2 $0x0  }
0x1d: {  	s5 =	simm.s32 @p1 $0x1;
	p0 =	seq.s32 s7, s2  }
0x1e: {  	s7 =	smul.u32 @!p0 $0xF7A, s2;
	p2 =	seq.s32 @!p0 s5, $0x0  }
0x1f: {  	s9 =	smul.u32 $0xF7A, s1;
	s8 =	simm.s32 @!p0 $0x1BF5;
	p2 =	por !p2, p0  }
0x20: {  	[sflag:s8] =	ssyncset.s32 @!p0 $0xFFFFF086;
	s6 =	sadd.s32 @!p0 s3, s7;
	s7 =	simm.s32 @!p0 $0x108  }
0x21: {  	s3 =	sadd.s32 s3, s9;
	s6 =	sadd.s32 @!p0 $0x88, s6;
	s7 =	simm.s32 @p2 $0x1082  }
0x22: {  	[simem:s7], [sflag:s8] =	dma.local @!p0 [hbm:s6], $0xF7A  }
0x23: {  	s9 =	sor.u32 $0xD0000000, s2;
	s6 =	simm.s32 $0x108;
	_ =	swait.ge @!p0 [sflag:s8], $0x0  }
0x24: {  	s3 =	sadd.s32 $0x88, s3;
	s6 =	simm.s32 @!p1 $0x1082;
	[sflag:s4] =	ssyncset.s32 $0xFFFFF086  }
0x25: {  	[simem:s6], [sflag:s4] =	dma.local [hbm:s3], $0xF7A  }
0x26: {  	[smem:$0x3F9C] =	sst s1;
	(tag) =	ssettag s2;
	_ =	strace s9  }
0x27: {  	s1 =	sld [smem:$0x3FAC]  }
0x28: {  	s2 =	sld [smem:$0x3FAD]  }
0x29: {  	s4 =	sld [smem:$0x3FAF]  }
0x2a: {  	p0 =	seq.s32 s5, $0x0;
	s5 =	sld [smem:$0x3FB0]  }
0x2b: {  	s6 =	sld [smem:$0x3FB1]  }
0x2c: {  	s7 =	sld [smem:$0x3FB2]  }
0x2d: {  	s3 =	simm.s32 $0x108;
	s8 =	sld [smem:$0x3FB3]  }
0x2e: {  	s3 =	simm.s32 @!p0 $0x1082;
	s9 =	sld [smem:$0x3FB4]  }
0x2f: {  	lr =	sadd.s32 s0, s3;
	s0 =	sld [smem:$0x3FAB]  }
0x30: {  	s3 =	sld [smem:$0x3FAE]  }
0x31: {  	[smem:$0x3FB7] =	sst s10  }
0x32: {  	s10 =	sld [smem:$0x3FB5];
	_ =	sdelay $0x3  }
0x33: {  	p0 =	seq.s32 s10, $0x1;
	s10 =	sld [smem:$0x3FB7];
	_ =	sdelay $0x3  }
0x34: {  	[smem:$0x3FB7] =	sst s10  }
0x35: {  	s10 =	sld [smem:$0x3FB6];
	_ =	sdelay $0x3  }
0x36: {  	p1 =	seq.s32 s10, $0x1;
	s10 =	sld [smem:$0x3FB7];
	_ =	sdelay $0x3  }
0x37: {  	[smem:$0x3FB7] =	sst s10  }
0x38: {  	s10 =	sld [smem:$0x3FB8]  }
0x39: {  	_ = 	snop;
	(pc) =	sbr.ind lr, $3  }
0x3a: {  	_ = 	snop  }
0x3b: {  	_ = 	snop  }
0x3c: {  	p2 =	seq.s32 s10, $0x1;
	s10 =	sld [smem:$0x3FB7]  }
0x3d: {  	_ =	shalt  }
0x3e: {  	_ =	shalt  }
0x3f: {  	_ =	shalt  }
0x40: {  	_ =	shalt  }
0x41: {  	_ =	shalt  }
0x42: {  	_ =	shalt  }
0x43: {  	_ =	shalt  }
0x44: {  	_ =	shalt  }
0x45: {  	_ =	shalt  }
0x46: {  	_ =	shalt  }
0x47: {  	_ =	shalt  }
0x48: {  	_ =	shalt  }
0x49: {  	_ =	shalt  }
0x4a: {  	_ =	shalt  }
0x4b: {  	_ =	shalt  }
0x4c: {  	_ =	shalt  }
0x4d: {  	_ =	shalt  }
0x4e: {  	_ =	shalt  }
0x4f: {  	_ =	shalt  }
0x50: {  	_ =	shalt  }
0x51: {  	_ =	shalt  }
0x52: {  	_ =	shalt  }
0x53: {  	_ =	shalt  }
0x54: {  	_ =	shalt  }
0x55: {  	_ =	shalt  }
0x56: {  	_ =	shalt  }
0x57: {  	_ =	shalt  }
0x58: {  	_ =	shalt  }
0x59: {  	_ =	shalt  }
0x5a: {  	_ =	shalt  }
0x5b: {  	_ =	shalt  }
0x5c: {  	_ =	shalt  }
0x5d: {  	_ =	shalt  }
0x5e: {  	_ =	shalt  }
0x5f: {  	_ =	shalt  }
0x60: {  	_ =	shalt  }
0x61: {  	_ =	shalt  }
0x62: {  	_ =	shalt  }
0x63: {  	_ =	shalt  }
0x64: {  	_ =	shalt  }
0x65: {  	_ =	shalt  }
0x66: {  	_ =	shalt  }
0x67: {  	_ =	shalt  }
0x68: {  	_ =	shalt  }
0x69: {  	_ =	shalt  }
0x6a: {  	_ =	shalt  }
0x6b: {  	_ =	shalt  }
0x6c: {  	_ =	shalt  }
0x6d: {  	_ =	shalt  }
0x6e: {  	_ =	shalt  }
0x6f: {  	_ =	shalt  }
0x70: {  	_ =	shalt  }
0x71: {  	_ =	shalt  }
0x72: {  	_ =	shalt  }
0x73: {  	_ =	shalt  }
0x74: {  	_ =	shalt  }
0x75: {  	_ =	shalt  }
0x76: {  	_ =	shalt  }
0x77: {  	_ =	shalt  }
0x78: {  	_ =	shalt  }
0x79: {  	_ =	shalt  }
0x7a: {  	_ =	shalt  }
0x7b: {  	_ =	shalt  }
0x7c: {  	_ =	shalt  }
0x7d: {  	_ =	shalt  }
0x7e: {  	_ =	shalt  }
0x7f: {  	_ =	shalt  }
0x80: {  	_ =	shalt  }
0x81: {  	_ =	shalt  }
0x82: {  	_ =	shalt  }
0x83: {  	_ =	shalt  }
0x84: {  	_ =	shalt  }
0x85: {  	_ =	shalt  }
0x86: {  	_ =	shalt  }
0x87: {  	_ =	shalt  }
.Lfunc_end0:
.L_simem_size_0:
called_computation_lowered:
.L_overlay_start_0:
0x88: {  	s2 =	sld [smem:$0x3FD9]  }
0x89: {  	s3 =	sld [smem:$0x3FFE];
	_ =	sdelay $0x1  }
0x8a: {  	s1 =	srdreg.scid  }
0x8b: {  	s0 =	sand.u32 $0x1, s1  }
0x8c: {  	s17 =	sshll.u32 s0, $0xA;
	s2 =	sadd.s32 s3, s2  }
0x8d: {  	s2 =	sadd.s32 s2, s17  }
0x8e: {  	[smem:$0x3FC3] =	sst s2  }
0x8f: {  	_ = 	snop  }
0x90: {  	s2 =	sld [smem:$0x3FC7]  }
0x91: {  	s18 =	sld [smem:$0x3FD0];
	(tm) =	ssettm $0x1  }
0x92: {  	s4 =	sld [smem:$0x3FFB];
	_ =	sdelay $0x3  }
0x93: {  	_ =	strace s4  }
0x94: {  	s4 =	sld [smem:$0x3FFC];
	_ =	sdelay $0x3  }
0x95: {  	_ =	strace s4  }
0x96: {  	s4 =	sld [smem:$0x3FFD];
	_ =	sdelay $0x3  }
0x97: {  	_ =	strace s4  }
0x98: {  	_ =	strace $0x8FFFFFFF  }
0x99: {  	s19 =	sld [smem:$0x3FDB];
	_ =	sdelay $0x1  }
0x9a: {  	s5 =	simm.s32 $_scs_section_size  }
0x9b: {  	s6 =	simm.s32 $_size__tile_overlayer_lowered;
	s7 =	simm.s32 $_tile_overlayer_lowered  }
0x9c: {  	s22 =	simm.s32 $0x1BFF;
	s21 =	sshll.u32 s7, $0x1;
	s4 =	sadd.s32 s5, s19  }
0x9d: {  	s8 =	simm.s32 $0x0;
	s20 =	sshll.u32 s6, $0x1;
	s6 =	sadd.s32 s21, s4  }
0x9e: {  	[timem:s8], [sflag:s22] =	dma.local [hbm:s6], s20  }
0x9f: {  	_ =	swait.ge [sflag:s22], s20  }
0xa0: {  	s5 =	ssub.s32 $0x0, s20;
	[sflag:s22] =	ssyncset.done $0x0  }
0xa1: {  	[sflag:s22] =	ssyncadd.s32 s5;
	_ =	sdelay $0x1  }
0xa2: {  	s23 =	simm.s32 $0x1B8B  }
0xa3: {  	_ =	swait.ge [sflag:s23], $0x1  }
0xa4: {  	[sflag:s23] =	ssyncset.done $0x0  }
0xa5: {  	s25 =	simm.s32 $0x1B8E;
	s24 =	sld [smem:$0x3FFE];
	[sflag:s23] =	ssyncadd.s32 $0xFFFFFFFF  }
0xa6: {  	s26 =	simm.s32 $execute0_lowered;
	[smem:$0x3FD2] =	sst s25  }
0xa7: {  	s6 =	sshll.u32 s26, $0x1;
	_ =	strace $0x80000046;
	[dreg:$0x1] =	wrdreg $0xFFFFFFFF  }
0xa8: {  	s28 =	simm.s32 $_size_execute0_lowered;
	s4 =	sadd.s32 s4, s6;
	[dreg:$0x0] =	wrdreg $0x0  }
0xa9: {  	s6 =	sshll.u32 s28, $0x1;
	[dreg:$0x2] =	wrdreg s4  }
0xaa: {  	[dreg:$0x3] =	wrdreg s6  }
0xab: {  	[dreg:$0x4] =	wrdreg $0xC0  }
0xac: {  	_ =	task [dreg:s8], $0x5FFFF  }
0xad: {  	[dreg:$0x1] =	wrdreg $0xFFFFFFFF  }
0xae: {  	[dreg:$0x0] =	wrdreg $0x60  }
0xaf: {  	[dreg:$0x2] =	wrdreg s24  }
0xb0: {  	[dreg:$0x3] =	wrdreg s2  }
0xb1: {  	[dreg:$0x4] =	wrdreg s18  }
0xb2: {  	[dreg:$0x5] =	wrdreg $0x9  }
0xb3: {  	_ =	task.clear_ibuf [dreg:s8], $0x6FFFF;
	_ =	strace $0x90000046  }
0xb4: {  	s29 =	simm.s32 $0x9;
	_ =	strace $0x80000048  }
0xb5: {  	_ =	swait.ge [sflag:s29], $0x1  }
0xb6: {  	[sflag:s29] =	ssyncadd.s32 $0xFFFFFFFF  }
0xb7: {  	_ =	strace $0x90000048  }
0xb8: {  	_ =	sfence  }
0xb9: {  	s30 =	sld [smem:$0x0];
	_ =	sdelay $0x2  }
0xba: {  	s31 =	sshll.u32 s1, $0xD;
	s1 =	sshrl.u32 s1, $0x2  }
0xbb: {  	s3 =	sand.u32 $0x4000, s31;
	s1 =	sadd.s32 s1, s30  }
0xbc: {  	s0 =	sor.u32 s3, s0;
	s1 =	sshll.u32 s1, $0x11  }
0xbd: {  	s0 =	sor.u32 s1, s0  }
0xbe: {  	s0 =	sadd.s32 $0x8F2B, s0  }
0xbf: {  	[sflag:s0] =	ssyncadd.remote.s32 $0x1  }
0xc0: {  	_ =	sfence.sel $0xFFFF  }
0xc1: {  	[dreg:$0x0] =	wrdreg $0xFFFFFFFF;
	(pc) =	sbr.abs _section_cstart, $3  }
0xc2: {  	[dreg:$0x1] =	wrdreg $0xFFFFFFFF  }
0xc3: {  	_ =	task.clear_ibuf [dreg:s8], $0x2FFFF;
	_ =	strace $0x9FFFFFFF  }
0xc4: {  	(tm) =	ssettm $0x7FFFFFFF  }
0xc5: {  	_ =	shalt  }
tec
execute0_lowered:
.L_overlay_start_1:
0x0: {  	(tag) =	ssettag $0x1  }
0x1: {  	s0 =	rddreg [dreg:$0x0]  }
0x2: {  	s1 =	rddreg [dreg:$0x1]  }
0x3: {  	s14 =	rddreg [dreg:$0x2]  }
0x4: {  	s3 =	srdreg.scid;
	s20 =	stileid.u32  }
0x5: {  	s2 =	simm.s32 $0x0;
	s10 =	sand.u32 $0x1, s3;
	s28 =	smul.u32 $0x2800, s20  }
0x6: {  	[smem:$0x7FF] =	sst s2;
	s17 =	sshrl.u32 s20, $0x3;
	s11 =	smul.u32 $0x271, s10  }
0x7: {  	s3 =	sadd.s32 $0xB200, s0;
	s0 =	sadd.s32 $0x1410, s0;
	s12 =	smul.u32 $0x138800, s17  }
0x8: {  	s6 =	sshll.u32 s20, $0x7;
	s4 =	ssub.s32 $0x2, s10;
	s18 =	smul.u32 $0x9C400, s10  }
0x9: {  	s20 =	simm.s32 $0x2;
	s19 =	smul.u32 $0x4E20, s10;
	s5 =	sshrl.u32 s4, $0x1  }
0xa: {  	_ =	strace $0x80000047;
	s13 =	sand.u32 $0x380, s6;
	s15 =	ssub.s32 s4, s5  }
0xb: {  	s21 =	sadd.s32 s18, s12;
	s7 =	sadd.s32 $0x7D, s11;
	s4 =	sadd.s32 s19, s0  }
0xc: {  	s8 =	sadd.s32 $0xFA, s11;
	s24 =	sadd.s32 $0x177, s11;
	s18 =	sadd.s32 $0x1F4, s11  }
0xd: {  	s19 =	smul.u32 $0x28000, s10;
	s22 =	sor.u32 s13, s21;
	s23 =	sshll.u32 s7, $0xA  }
0xe: {  	s9 =	sshll.u32 s8, $0xA;
	s7 =	sshll.u32 s7, $0x5;
	s8 =	sshll.u32 s8, $0x5  }
0xf: {  	s17 =	sshll.u32 s24, $0xA;
	s26 =	sshll.u32 s18, $0xA;
	s29 =	sshll.u32 s18, $0x5  }
0x10: {  	s15 =	smax.u32 s15, $0x1;
	s18 =	simm.s32 $0x7D00;
	s21 =	simm.s32 $0x3E80  }
0x11: {  	s5 =	sshrl.u32 s22, $0x3;
	s6 =	sadd.s32 s12, s23;
	s9 =	sadd.s32 s12, s9  }
0x12: {  	s8 =	sadd.s32 s8, s0;
	s17 =	sadd.s32 s12, s17;
	s12 =	sadd.s32 s12, s26  }
0x13: {  	s22 =	simm.s32 $0xBB80;
	s23 =	simm.s32 $0x1;
	s5 =	sadd.s32 s1, s5  }
0x14: {  	s6 =	sor.u32 s13, s6;
	s9 =	sor.u32 s13, s9;
	s25 =	sor.u32 s13, s17  }
0x15: {  	s12 =	sor.u32 s13, s12;
	s17 =	sadd.s32 s28, s19;
	s19 =	simm.s32 $0xFA00  }
0x16: {  	s16 =	sshrl.u32 s6, $0x3;
	s6 =	sadd.s32 s7, s0;
	s9 =	sshrl.u32 s9, $0x3  }
0x17: {  	s11 =	sshrl.u32 s25, $0x3;
	s30 =	sshrl.u32 s12, $0x3;
	s12 =	sadd.s32 s29, s0  }
0x18: {  	s31 =	sshrl.u32 s17, $0x3;
	s17 =	simm.s32 $0x400;
	s25 =	simm.s32 $0x0  }
0x19: {  	s7 =	sadd.s32 s1, s16;
	s9 =	sadd.s32 s1, s9;
	s16 =	sshll.u32 s24, $0x5  }
0x1a: {  	s11 =	sadd.s32 s1, s11;
	s13 =	sadd.s32 s1, s30;
	s14 =	sadd.s32 s14, s31  }
0x1b: {  	s24 =	simm.s32 $0x80;
	s10 =	sadd.s32 s16, s0;
	s16 =	simm.s32 $0x100  }
.LBB2_1:
0x1c: {  	[tilespmem:s2], [sflag:$0x1] =	stream.strided.gather [hbm4b:s4+s24], $0x3E80, s16, s24, $0x38;
	[tilespmem:$0x12200] =	vst v63  }
0x1d: {  	_ = 	snop  }
0x1e: {  	[tilespmem:s18], [sflag:$0x1] =	stream.strided.gather [hbm4b:s5+s24], $0x3E80, s17, s24, $0x38;
	[tilespmem:$0x12200] =	vst v63  }
0x1f: {  	_ = 	snop  }
0x20: {  	[tilespmem:s19], [sflag:$0x2] =	stream.linear.gather [hbm4b:s3+s2], $0x2800, $0x38;
	[tilespmem:$0x12200] =	vst v63  }
0x21: {  	_ =	swait.ge [sflag:s20], $0x2800  }
0x22: {  	[sflag:s20] =	ssyncset.done $0x0  }
0x23: {  	[sflag:s20] =	ssyncadd.s32 $0xFFFFD800  }
0x24: {  	[tilespmem:s21], [sflag:$0x1] =	stream.strided.gather [hbm4b:s6+s24], $0x3E80, s16, s24, $0x38;
	[tilespmem:$0x12200] =	vst v63  }
0x25: {  	_ = 	snop  }
0x26: {  	[tilespmem:s22], [sflag:$0x1] =	stream.strided.gather [hbm4b:s7+s24], $0x3E80, s17, s24, $0x38;
	[tilespmem:$0x12200] =	vst v63  }
0x27: {  	_ =	swait.ge [sflag:s23], $0x3E80  }
0x28: {  	[sflag:s23] =	ssyncset.done $0x0  }
0x29: {  	[sflag:s23] =	ssyncadd.s32 $0xFFFFC180  }
0x2a: {  	_ =	swait.ge [sflag:s23], $0x3E80  }
0x2b: {  	[sflag:s23] =	ssyncset.done $0x0  }
0x2c: {  	[sflag:s23] =	ssyncadd.s32 $0xFFFFC180  }
0x2d: {  	v0 =	vld [tilespmem:s24+$0x0];
	_ =	sdelay $0x1  }
0x2e: {  	s26 =	simm.s32 $0x7D80  }
0x2f: {  	v1 =	vld [tilespmem:s26+$0x0];
	_ =	sdelay $0x2  }
0x30: {  	v2 =	vld [tilespmem:s24+$0xFFFFFF80]  }
0x31: {  	v3 =	vld [tilespmem:s26+$0xFFFFFF80]  }
0x32: {  	[tilespmem:v0+s19+$0x0] =	vst.idx.add.f32.msk $0xffff, v1  }
0x33: {  	v0 =	vld [tilespmem:s24+$0x10];
	_ =	sdelay $0x2  }
0x34: {  	v1 =	vld [tilespmem:s26+$0x10];
	_ =	sdelay $0x1  }
0x35: {  	[tilespmem:v2+s19+$0x0] =	vst.idx.add.f32.msk $0xffff, v3  }
0x36: {  	v2 =	vld [tilespmem:s24+$0xFFFFFF90]  }
0x37: {  	v3 =	vld [tilespmem:s26+$0xFFFFFF90]  }
0x38: {  	[tilespmem:v0+s19+$0x0] =	vst.idx.add.f32.msk $0xffff, v1  }
0x39: {  	v0 =	vld [tilespmem:s24+$0x20];
	_ =	sdelay $0x2  }
0x3a: {  	v1 =	vld [tilespmem:s26+$0x20];
	_ =	sdelay $0x1  }
0x3b: {  	[tilespmem:v2+s19+$0x0] =	vst.idx.add.f32.msk $0xffff, v3  }
0x3c: {  	v2 =	vld [tilespmem:s24+$0xFFFFFFA0]  }
0x3d: {  	v3 =	vld [tilespmem:s26+$0xFFFFFFA0]  }
0x3e: {  	[tilespmem:v0+s19+$0x0] =	vst.idx.add.f32.msk $0xffff, v1  }
0x3f: {  	v0 =	vld [tilespmem:s24+$0x30]  }
0x40: {  	s28 =	simm.s32 $0x180  }
0x41: {  	v6 =	vld [tilespmem:s28+$0xFFFFFF80]  }
0x42: {  	s29 =	simm.s32 $0x7E80;
	v1 =	vld [tilespmem:s26+$0x30]  }
0x43: {  	v7 =	vld [tilespmem:s29+$0xFFFFFF80]  }
0x44: {  	[tilespmem:v2+s19+$0x0] =	vst.idx.add.f32.msk $0xffff, v3  }
0x45: {  	v2 =	vld [tilespmem:s24+$0xFFFFFFB0]  }
0x46: {  	v3 =	vld [tilespmem:s26+$0xFFFFFFB0]  }
0x47: {  	[tilespmem:v0+s19+$0x0] =	vst.idx.add.f32.msk $0xffff, v1  }
0x48: {  	v0 =	vld [tilespmem:s24+$0x40];
	_ =	sdelay $0x1  }
0x49: {  	v4 =	vld [tilespmem:s28+$0x0]  }
0x4a: {  	v1 =	vld [tilespmem:s26+$0x40]  }
0x4b: {  	[tilespmem:v6+s19+$0x0] =	vst.idx.add.f32.msk $0xffff, v7  }
0x4c: {  	[tilespmem:v2+s19+$0x0] =	vst.idx.add.f32.msk $0xffff, v3  }
0x4d: {  	v2 =	vld [tilespmem:s24+$0xFFFFFFC0]  }
0x4e: {  	v3 =	vld [tilespmem:s26+$0xFFFFFFC0]  }
0x4f: {  	[tilespmem:v0+s19+$0x0] =	vst.idx.add.f32.msk $0xffff, v1  }
0x50: {  	v1 =	vld [tilespmem:s29+$0x0]  }
0x51: {  	v0 =	vld [tilespmem:s24+$0x50]  }
0x52: {  	v60 =	vld [tilespmem:s28+$0xFFFFFF90]  }
0x53: {  	v61 =	vld [tilespmem:s29+$0xFFFFFF90]  }
0x54: {  	v5 =	vld [tilespmem:s26+$0x50]  }
0x55: {  	[tilespmem:v2+s19+$0x0] =	vst.idx.add.f32.msk $0xffff, v3  }
0x56: {  	[tilespmem:v4+s19+$0x0] =	vst.idx.add.f32.msk $0xffff, v1  }
0x57: {  	v1 =	vld [tilespmem:s28+$0x10]  }
0x58: {  	v2 =	vld [tilespmem:s29+$0x10]  }
0x59: {  	[tilespmem:v0+s19+$0x0] =	vst.idx.add.f32.msk $0xffff, v5  }
0x5a: {  	v0 =	vld [tilespmem:s24+$0x60]  }
0x5b: {  	[tilespmem:v60+s19+$0x0] =	vst.idx.add.f32.msk $0xffff, v61  }
0x5c: {  	v4 =	vld [tilespmem:s28+$0xFFFFFFA0]  }
0x5d: {  	v3 =	vld [tilespmem:s26+$0x60]  }
0x5e: {  	v5 =	vld [tilespmem:s29+$0xFFFFFFA0]  }
0x5f: {  	[tilespmem:v1+s19+$0x0] =	vst.idx.add.f32.msk $0xffff, v2  }
0x60: {  	v1 =	vld [tilespmem:s28+$0x20]  }
0x61: {  	v2 =	vld [tilespmem:s29+$0x20]  }
0x62: {  	[tilespmem:v0+s19+$0x0] =	vst.idx.add.f32.msk $0xffff, v3  }
0x63: {  	v0 =	vld [tilespmem:s24+$0x70];
	_ =	sdelay $0x2  }
0x64: {  	v3 =	vld [tilespmem:s26+$0x70]  }
0x65: {  	[tilespmem:v4+s19+$0x0] =	vst.idx.add.f32.msk $0xffff, v5  }
0x66: {  	[tilespmem:v1+s19+$0x0] =	vst.idx.add.f32.msk $0xffff, v2  }
0x67: {  	v1 =	vld [tilespmem:s28+$0x30]  }
0x68: {  	v2 =	vld [tilespmem:s24+$0xFFFFFFD0]  }
0x69: {  	[tilespmem:v0+s19+$0x0] =	vst.idx.add.f32.msk $0xffff, v3  }
0x6a: {  	v0 =	vld [tilespmem:s29+$0x30]  }
0x6b: {  	v4 =	vld [tilespmem:s28+$0xFFFFFFB0]  }
0x6c: {  	v3 =	vld [tilespmem:s26+$0xFFFFFFD0];
	_ =	sdelay $0x1  }
0x6d: {  	v5 =	vld [tilespmem:s29+$0xFFFFFFB0]  }
0x6e: {  	[tilespmem:v1+s19+$0x0] =	vst.idx.add.f32.msk $0xffff, v0  }
0x6f: {  	v62 =	vld [tilespmem:s28+$0x40]  }
0x70: {  	[tilespmem:v2+s19+$0x0] =	vst.idx.add.f32.msk $0xffff, v3  }
0x71: {  	v3 =	vld [tilespmem:s24+$0xFFFFFFE0]  }
0x72: {  	v2 =	vld [tilespmem:s29+$0x40]  }
0x73: {  	[tilespmem:v4+s19+$0x0] =	vst.idx.add.f32.msk $0xffff, v5  }
0x74: {  	v63 =	vld [tilespmem:s26+$0xFFFFFFE0]  }
0x75: {  	v0 =	vld [tilespmem:s28+$0xFFFFFFC0]  }
0x76: {  	v1 =	vld [tilespmem:s29+$0xFFFFFFC0]  }
0x77: {  	[tilespmem:v62+s19+$0x0] =	vst.idx.add.f32.msk $0xffff, v2  }
0x78: {  	s0 =	simm.s32 $0x2;
	v2 =	vld [tilespmem:s28+$0x50]  }
0x79: {  	s1 =	simm.s32 $0x280;
	s30 =	simm.s32 $0x7E80;
	s31 =	simm.s32 $0x80;
	[tilespmem:v3+s19+$0x0] =	vst.idx.add.f32.msk $0xffff, v63  }
.LBB2_2:
0x7a: {  	v3 =	vld [tilespmem:s1+$0x0]  }
0x7b: {  	s0 =	sadd.s32 $0x2, s0;
	v4 =	vld [tilespmem:s29+$0x50]  }
0x7c: {  	p0 =	slt.u32 s0, $0x7A;
	s29 =	sadd.s32 $0x100, s29;
	v5 =	vld [tilespmem:s1+$0xFFFFFF80]  }
0x7d: {  	v6 =	vld [tilespmem:s29+$0x0]  }
0x7e: {  	v7 =	vld [tilespmem:s29+$0xFFFFFF80]  }
0x7f: {  	[tilespmem:v0+s19+$0x0] =	vst.idx.add.f32.msk $0xffff, v1  }
0x80: {  	[tilespmem:v2+s19+$0x0] =	vst.idx.add.f32.msk $0xffff, v4  }
0x81: {  	v0 =	vld [tilespmem:s28+$0x60]  }
0x82: {  	[tilespmem:v3+s19+$0x0] =	vst.idx.add.f32.msk $0xffff, v6  }
0x83: {  	v1 =	vld [tilespmem:s1+$0x10]  }
0x84: {  	v2 =	vld [tilespmem:s30+$0x60]  }
0x85: {  	[tilespmem:v5+s19+$0x0] =	vst.idx.add.f32.msk $0xffff, v7  }
0x86: {  	v3 =	vld [tilespmem:s29+$0x10]  }
0x87: {  	v4 =	vld [tilespmem:s1+$0xFFFFFF90]  }
0x88: {  	v5 =	vld [tilespmem:s29+$0xFFFFFF90]  }
0x89: {  	[tilespmem:v0+s19+$0x0] =	vst.idx.add.f32.msk $0xffff, v2  }
0x8a: {  	v0 =	vld [tilespmem:s28+$0x70]  }
0x8b: {  	[tilespmem:v1+s19+$0x0] =	vst.idx.add.f32.msk $0xffff, v3  }
0x8c: {  	v1 =	vld [tilespmem:s1+$0x20]  }
0x8d: {  	v2 =	vld [tilespmem:s30+$0x70]  }
0x8e: {  	v3 =	vld [tilespmem:s28+$0xFFFFFFD0]  }
0x8f: {  	[tilespmem:v4+s19+$0x0] =	vst.idx.add.f32.msk $0xffff, v5  }
0x90: {  	v4 =	vld [tilespmem:s29+$0x20]  }
0x91: {  	v5 =	vld [tilespmem:s1+$0xFFFFFFA0]  }
0x92: {  	[tilespmem:v0+s19+$0x0] =	vst.idx.add.f32.msk $0xffff, v2  }
0x93: {  	v0 =	vld [tilespmem:s29+$0xFFFFFFA0]  }
0x94: {  	v2 =	vld [tilespmem:s30+$0xFFFFFFD0]  }
0x95: {  	[tilespmem:v1+s19+$0x0] =	vst.idx.add.f32.msk $0xffff, v4  }
0x96: {  	v1 =	vld [tilespmem:s1+$0x30]  }
0x97: {  	v4 =	vld [tilespmem:s31+$0xFFFFFFF0];
	s31 =	smov.u32 s28;
	s28 =	smov.u32 s1  }
0x98: {  	v6 =	vld [tilespmem:s26+$0xFFFFFFF0];
	s26 =	smov.u32 s30;
	s30 =	smov.u32 s29  }
0x99: {  	v7 =	vld [tilespmem:s29+$0x30]  }
0x9a: {  	[tilespmem:v5+s19+$0x0] =	vst.idx.add.f32.msk $0xffff, v0  }
0x9b: {  	v0 =	vld [tilespmem:s1+$0xFFFFFFB0]  }
0x9c: {  	v5 =	vld [tilespmem:s29+$0xFFFFFFB0]  }
0x9d: {  	[tilespmem:v3+s19+$0x0] =	vst.idx.add.f32.msk $0xffff, v2  }
0x9e: {  	[tilespmem:v1+s19+$0x0] =	vst.idx.add.f32.msk $0xffff, v7  }
0x9f: {  	v2 =	vld [tilespmem:s1+$0x40]  }
0xa0: {  	v3 =	vld [tilespmem:s31+$0xFFFFFFE0]  }
0xa1: {  	v7 =	vld [tilespmem:s26+$0xFFFFFFE0]  }
0xa2: {  	v8 =	vld [tilespmem:s29+$0x40]  }
0xa3: {  	[tilespmem:v0+s19+$0x0] =	vst.idx.add.f32.msk $0xffff, v5  }
0xa4: {  	v0 =	vld [tilespmem:s1+$0xFFFFFFC0]  }
.Ltmp0:
0xa5: {  	v1 =	vld [tilespmem:s29+$0xFFFFFFC0];
	(pc) =	sbr.rel @p0 .LBB2_2-.Ltmp0, $4  }
0xa6: {  	[tilespmem:v4+s19+$0x0] =	vst.idx.add.f32.msk $0xffff, v6  }
0xa7: {  	[tilespmem:v2+s19+$0x0] =	vst.idx.add.f32.msk $0xffff, v8  }
0xa8: {  	v2 =	vld [tilespmem:s1+$0x50]  }
0xa9: {  	s1 =	sadd.s32 $0x100, s1;
	[tilespmem:v3+s19+$0x0] =	vst.idx.add.f32.msk $0xffff, v7  }
0xaa: {  	_ =	sdelay $0x2  }
0xab: {  	v3 =	vld [tilespmem:s29+$0x50]  }
0xac: {  	[tilespmem:v0+s19+$0x0] =	vst.idx.add.f32.msk $0xffff, v1  }
0xad: {  	v0 =	vld [tilespmem:s28+$0xFFFFFFD0];
	_ =	sdelay $0x2  }
0xae: {  	v1 =	vld [tilespmem:s30+$0xFFFFFFD0];
	_ =	sdelay $0x1  }
0xaf: {  	[tilespmem:v2+s19+$0x0] =	vst.idx.add.f32.msk $0xffff, v3  }
0xb0: {  	v2 =	vld [tilespmem:s28+$0x60]  }
0xb1: {  	v3 =	vld [tilespmem:s30+$0x60]  }
0xb2: {  	[tilespmem:v0+s19+$0x0] =	vst.idx.add.f32.msk $0xffff, v1  }
0xb3: {  	v0 =	vld [tilespmem:s28+$0xFFFFFFE0];
	_ =	sdelay $0x2  }
0xb4: {  	v1 =	vld [tilespmem:s30+$0xFFFFFFE0];
	_ =	sdelay $0x1  }
0xb5: {  	[tilespmem:v2+s19+$0x0] =	vst.idx.add.f32.msk $0xffff, v3  }
0xb6: {  	v3 =	vld [tilespmem:s31+$0xFFFFFFF0]  }
0xb7: {  	v2 =	vld [tilespmem:s28+$0x70]  }
0xb8: {  	[tilespmem:v0+s19+$0x0] =	vst.idx.add.f32.msk $0xffff, v1  }
0xb9: {  	v0 =	vld [tilespmem:s28+$0xFFFFFFF0]  }
0xba: {  	v4 =	vld [tilespmem:s26+$0xFFFFFFF0]  }
0xbb: {  	v1 =	vld [tilespmem:s30+$0x70]  }
0xbc: {  	v5 =	vld [tilespmem:s30+$0xFFFFFFF0];
	_ =	sdelay $0x2  }
0xbd: {  	[tilespmem:v3+s19+$0x0] =	vst.idx.add.f32.msk $0xffff, v4  }
0xbe: {  	[tilespmem:v2+s19+$0x0] =	vst.idx.add.f32.msk $0xffff, v1  }
0xbf: {  	[tilespmem:v0+s19+$0x0] =	vst.idx.add.f32.msk $0xffff, v5  }
0xc0: {  	v0 =	vld [tilespmem:$0x3E00];
	_ =	sdelay $0x2  }
0xc1: {  	v1 =	vld [tilespmem:$0xBB00];
	_ =	sdelay $0x4  }
0xc2: {  	[tilespmem:v0+s19+$0x0] =	vst.idx.add.f32.msk $0xffff, v1  }
0xc3: {  	v0 =	vld [tilespmem:$0x3E10];
	_ =	sdelay $0x2  }
0xc4: {  	v1 =	vld [tilespmem:$0xBB10];
	_ =	sdelay $0x4  }
0xc5: {  	[tilespmem:v0+s19+$0x0] =	vst.idx.add.f32.msk $0xffff, v1  }
0xc6: {  	v0 =	vld [tilespmem:$0x3E20];
	_ =	sdelay $0x2  }
0xc7: {  	v1 =	vld [tilespmem:$0xBB20];
	_ =	sdelay $0x4  }
0xc8: {  	[tilespmem:v0+s19+$0x0] =	vst.idx.add.f32.msk $0xffff, v1  }
0xc9: {  	v0 =	vld [tilespmem:$0x3E30];
	_ =	sdelay $0x2  }
0xca: {  	v1 =	vld [tilespmem:$0xBB30];
	_ =	sdelay $0x4  }
0xcb: {  	[tilespmem:v0+s19+$0x0] =	vst.idx.add.f32.msk $0xffff, v1  }
0xcc: {  	v0 =	vld [tilespmem:$0x3E40];
	_ =	sdelay $0x2  }
0xcd: {  	v1 =	vld [tilespmem:$0xBB40];
	_ =	sdelay $0x4  }
0xce: {  	[tilespmem:v0+s19+$0x0] =	vst.idx.add.f32.msk $0xffff, v1  }
0xcf: {  	v0 =	vld [tilespmem:$0x3E50];
	_ =	sdelay $0x2  }
0xd0: {  	v1 =	vld [tilespmem:$0xBB50];
	_ =	sdelay $0x4  }
0xd1: {  	[tilespmem:v0+s19+$0x0] =	vst.idx.add.f32.msk $0xffff, v1  }
0xd2: {  	v0 =	vld [tilespmem:$0x3E60];
	_ =	sdelay $0x2  }
0xd3: {  	v1 =	vld [tilespmem:$0xBB60];
	_ =	sdelay $0x4  }
0xd4: {  	[tilespmem:v0+s19+$0x0] =	vst.idx.add.f32.msk $0xffff, v1  }
0xd5: {  	v0 =	vld [tilespmem:$0x3E70];
	_ =	sdelay $0x2  }
0xd6: {  	v1 =	vld [tilespmem:$0xBB70];
	_ =	sdelay $0x4  }
0xd7: {  	[tilespmem:v0+s19+$0x0] =	vst.idx.add.f32.msk $0xffff, v1  }
0xd8: {  	[tilespmem:s2], [sflag:$0x1] =	stream.strided.gather [hbm4b:s8+s24], $0x3E80, s16, s24, $0x38;
	[tilespmem:$0x12200] =	vst v63  }
0xd9: {  	_ = 	snop  }
0xda: {  	[tilespmem:s18], [sflag:$0x1] =	stream.strided.gather [hbm4b:s9+s24], $0x3E80, s17, s24, $0x38;
	[tilespmem:$0x12200] =	vst v63  }
0xdb: {  	_ =	swait.ge [sflag:s23], $0x3E80  }
0xdc: {  	[sflag:s23] =	ssyncset.done $0x0  }
0xdd: {  	[sflag:s23] =	ssyncadd.s32 $0xFFFFC180  }
0xde: {  	_ =	swait.ge [sflag:s23], $0x3E80  }
0xdf: {  	[sflag:s23] =	ssyncset.done $0x0  }
0xe0: {  	s28 =	simm.s32 $0x3F70;
	[sflag:s23] =	ssyncadd.s32 $0xFFFFC180  }
0xe1: {  	v0 =	vld [tilespmem:s28+$0xFFFFFF90];
	_ =	sdelay $0x1  }
0xe2: {  	s26 =	simm.s32 $0xBC70  }
0xe3: {  	v1 =	vld [tilespmem:s26+$0xFFFFFF90];
	_ =	sdelay $0x2  }
0xe4: {  	v2 =	vld [tilespmem:s28+$0xFFFFFF10]  }
0xe5: {  	v3 =	vld [tilespmem:s26+$0xFFFFFF10]  }
0xe6: {  	[tilespmem:v0+s19+$0x0] =	vst.idx.add.f32.msk $0xffff, v1  }
0xe7: {  	v0 =	vld [tilespmem:s28+$0xFFFFFFA0];
	_ =	sdelay $0x2  }
0xe8: {  	v1 =	vld [tilespmem:s26+$0xFFFFFFA0];
	_ =	sdelay $0x1  }
0xe9: {  	[tilespmem:v2+s19+$0x0] =	vst.idx.add.f32.msk $0xffff, v3  }
0xea: {  	v2 =	vld [tilespmem:s28+$0xFFFFFF20]  }
0xeb: {  	v3 =	vld [tilespmem:s26+$0xFFFFFF20]  }
0xec: {  	[tilespmem:v0+s19+$0x0] =	vst.idx.add.f32.msk $0xffff, v1  }
0xed: {  	v0 =	vld [tilespmem:s28+$0xFFFFFFB0];
	_ =	sdelay $0x2  }
0xee: {  	v1 =	vld [tilespmem:s26+$0xFFFFFFB0];
	_ =	sdelay $0x1  }
0xef: {  	[tilespmem:v2+s19+$0x0] =	vst.idx.add.f32.msk $0xffff, v3  }
0xf0: {  	v2 =	vld [tilespmem:s28+$0xFFFFFF30]  }
0xf1: {  	v3 =	vld [tilespmem:s26+$0xFFFFFF30]  }
0xf2: {  	[tilespmem:v0+s19+$0x0] =	vst.idx.add.f32.msk $0xffff, v1  }
0xf3: {  	v0 =	vld [tilespmem:s28+$0xFFFFFFC0]  }
0xf4: {  	s29 =	simm.s32 $0x4070  }
0xf5: {  	v6 =	vld [tilespmem:s29+$0xFFFFFF10]  }
0xf6: {  	s30 =	simm.s32 $0xBD70;
	v1 =	vld [tilespmem:s26+$0xFFFFFFC0]  }
0xf7: {  	v7 =	vld [tilespmem:s30+$0xFFFFFF10]  }
0xf8: {  	[tilespmem:v2+s19+$0x0] =	vst.idx.add.f32.msk $0xffff, v3  }
0xf9: {  	v2 =	vld [tilespmem:s28+$0xFFFFFF40]  }
0xfa: {  	v3 =	vld [tilespmem:s26+$0xFFFFFF40]  }
0xfb: {  	[tilespmem:v0+s19+$0x0] =	vst.idx.add.f32.msk $0xffff, v1  }
0xfc: {  	v0 =	vld [tilespmem:s28+$0xFFFFFFD0];
	_ =	sdelay $0x1  }
0xfd: {  	v58 =	vld [tilespmem:s29+$0xFFFFFF90]  }
0xfe: {  	v1 =	vld [tilespmem:s26+$0xFFFFFFD0]  }
0xff: {  	[tilespmem:v6+s19+$0x0] =	vst.idx.add.f32.msk $0xffff, v7  }
0x100: {  	[tilespmem:v2+s19+$0x0] =	vst.idx.add.f32.msk $0xffff, v3  }
0x101: {  	v2 =	vld [tilespmem:s28+$0xFFFFFF50]  }
0x102: {  	v3 =	vld [tilespmem:s26+$0xFFFFFF50]  }
0x103: {  	[tilespmem:v0+s19+$0x0] =	vst.idx.add.f32.msk $0xffff, v1  }
0x104: {  	v1 =	vld [tilespmem:s30+$0xFFFFFF90]  }
0x105: {  	v0 =	vld [tilespmem:s28+$0xFFFFFFE0]  }
0x106: {  	v60 =	vld [tilespmem:s29+$0xFFFFFF20]  }
0x107: {  	v61 =	vld [tilespmem:s30+$0xFFFFFF20]  }
0x108: {  	v59 =	vld [tilespmem:s26+$0xFFFFFFE0]  }
0x109: {  	[tilespmem:v2+s19+$0x0] =	vst.idx.add.f32.msk $0xffff, v3  }
0x10a: {  	[tilespmem:v58+s19+$0x0] =	vst.idx.add.f32.msk $0xffff, v1  }
0x10b: {  	v1 =	vld [tilespmem:s29+$0xFFFFFFA0]  }
0x10c: {  	v2 =	vld [tilespmem:s30+$0xFFFFFFA0]  }
0x10d: {  	[tilespmem:v0+s19+$0x0] =	vst.idx.add.f32.msk $0xffff, v59  }
0x10e: {  	v0 =	vld [tilespmem:s28+$0xFFFFFFF0]  }
0x10f: {  	[tilespmem:v60+s19+$0x0] =	vst.idx.add.f32.msk $0xffff, v61  }
0x110: {  	v4 =	vld [tilespmem:s29+$0xFFFFFF30]  }
0x111: {  	v3 =	vld [tilespmem:s26+$0xFFFFFFF0]  }
0x112: {  	v5 =	vld [tilespmem:s30+$0xFFFFFF30]  }
0x113: {  	[tilespmem:v1+s19+$0x0] =	vst.idx.add.f32.msk $0xffff, v2  }
0x114: {  	v1 =	vld [tilespmem:s29+$0xFFFFFFB0]  }
0x115: {  	v2 =	vld [tilespmem:s30+$0xFFFFFFB0]  }
0x116: {  	[tilespmem:v0+s19+$0x0] =	vst.idx.add.f32.msk $0xffff, v3  }
0x117: {  	v0 =	vld [tilespmem:s28+$0x0];
	_ =	sdelay $0x2  }
0x118: {  	v3 =	vld [tilespmem:s26+$0x0]  }
0x119: {  	[tilespmem:v4+s19+$0x0] =	vst.idx.add.f32.msk $0xffff, v5  }
0x11a: {  	[tilespmem:v1+s19+$0x0] =	vst.idx.add.f32.msk $0xffff, v2  }
0x11b: {  	v1 =	vld [tilespmem:s29+$0xFFFFFFC0]  }
0x11c: {  	v2 =	vld [tilespmem:s28+$0xFFFFFF60]  }
0x11d: {  	[tilespmem:v0+s19+$0x0] =	vst.idx.add.f32.msk $0xffff, v3  }
0x11e: {  	v0 =	vld [tilespmem:s30+$0xFFFFFFC0]  }
0x11f: {  	v4 =	vld [tilespmem:s29+$0xFFFFFF40]  }
0x120: {  	v3 =	vld [tilespmem:s26+$0xFFFFFF60];
	_ =	sdelay $0x1  }
0x121: {  	v5 =	vld [tilespmem:s30+$0xFFFFFF40]  }
0x122: {  	[tilespmem:v1+s19+$0x0] =	vst.idx.add.f32.msk $0xffff, v0  }
0x123: {  	v62 =	vld [tilespmem:s29+$0xFFFFFFD0]  }
0x124: {  	[tilespmem:v2+s19+$0x0] =	vst.idx.add.f32.msk $0xffff, v3  }
0x125: {  	v3 =	vld [tilespmem:s28+$0xFFFFFF70]  }
0x126: {  	v2 =	vld [tilespmem:s30+$0xFFFFFFD0]  }
0x127: {  	[tilespmem:v4+s19+$0x0] =	vst.idx.add.f32.msk $0xffff, v5  }
0x128: {  	v63 =	vld [tilespmem:s26+$0xFFFFFF70]  }
0x129: {  	v0 =	vld [tilespmem:s29+$0xFFFFFF50]  }
0x12a: {  	v1 =	vld [tilespmem:s30+$0xFFFFFF50]  }
0x12b: {  	[tilespmem:v62+s19+$0x0] =	vst.idx.add.f32.msk $0xffff, v2  }
0x12c: {  	v2 =	vld [tilespmem:s29+$0xFFFFFFE0]  }
0x12d: {  	s0 =	simm.s32 $0x2;
	s1 =	simm.s32 $0x4170;
	s31 =	simm.s32 $0xBD70;
	[tilespmem:v3+s19+$0x0] =	vst.idx.add.f32.msk $0xffff, v63  }
.LBB2_4:
0x12e: {  	v3 =	vld [tilespmem:s1+$0xFFFFFF90]  }
0x12f: {  	s0 =	sadd.s32 $0x2, s0;
	v4 =	vld [tilespmem:s30+$0xFFFFFFE0]  }
0x130: {  	p0 =	slt.u32 s0, $0x7A;
	s30 =	sadd.s32 $0x100, s30;
	v5 =	vld [tilespmem:s1+$0xFFFFFF10]  }
0x131: {  	v6 =	vld [tilespmem:s30+$0xFFFFFF90]  }
0x132: {  	v7 =	vld [tilespmem:s30+$0xFFFFFF10]  }
0x133: {  	[tilespmem:v0+s19+$0x0] =	vst.idx.add.f32.msk $0xffff, v1  }
0x134: {  	[tilespmem:v2+s19+$0x0] =	vst.idx.add.f32.msk $0xffff, v4  }
0x135: {  	v0 =	vld [tilespmem:s29+$0xFFFFFFF0]  }
0x136: {  	[tilespmem:v3+s19+$0x0] =	vst.idx.add.f32.msk $0xffff, v6  }
0x137: {  	v1 =	vld [tilespmem:s1+$0xFFFFFFA0]  }
0x138: {  	v2 =	vld [tilespmem:s31+$0xFFFFFFF0]  }
0x139: {  	[tilespmem:v5+s19+$0x0] =	vst.idx.add.f32.msk $0xffff, v7  }
0x13a: {  	v3 =	vld [tilespmem:s30+$0xFFFFFFA0]  }
0x13b: {  	v4 =	vld [tilespmem:s1+$0xFFFFFF20]  }
0x13c: {  	v5 =	vld [tilespmem:s30+$0xFFFFFF20]  }
0x13d: {  	[tilespmem:v0+s19+$0x0] =	vst.idx.add.f32.msk $0xffff, v2  }
0x13e: {  	v0 =	vld [tilespmem:s29+$0x0]  }
0x13f: {  	[tilespmem:v1+s19+$0x0] =	vst.idx.add.f32.msk $0xffff, v3  }
0x140: {  	v1 =	vld [tilespmem:s1+$0xFFFFFFB0]  }
0x141: {  	v2 =	vld [tilespmem:s31+$0x0]  }
0x142: {  	v3 =	vld [tilespmem:s29+$0xFFFFFF60]  }
0x143: {  	[tilespmem:v4+s19+$0x0] =	vst.idx.add.f32.msk $0xffff, v5  }
0x144: {  	v4 =	vld [tilespmem:s30+$0xFFFFFFB0]  }
0x145: {  	v5 =	vld [tilespmem:s1+$0xFFFFFF30]  }
0x146: {  	[tilespmem:v0+s19+$0x0] =	vst.idx.add.f32.msk $0xffff, v2  }
0x147: {  	v0 =	vld [tilespmem:s30+$0xFFFFFF30]  }
0x148: {  	v2 =	vld [tilespmem:s31+$0xFFFFFF60]  }
0x149: {  	[tilespmem:v1+s19+$0x0] =	vst.idx.add.f32.msk $0xffff, v4  }
0x14a: {  	v1 =	vld [tilespmem:s1+$0xFFFFFFC0]  }
0x14b: {  	v4 =	vld [tilespmem:s28+$0xFFFFFF80];
	s28 =	smov.u32 s29;
	s29 =	smov.u32 s1  }
0x14c: {  	v6 =	vld [tilespmem:s26+$0xFFFFFF80];
	s26 =	smov.u32 s31;
	s31 =	smov.u32 s30  }
0x14d: {  	v7 =	vld [tilespmem:s30+$0xFFFFFFC0]  }
0x14e: {  	[tilespmem:v5+s19+$0x0] =	vst.idx.add.f32.msk $0xffff, v0  }
0x14f: {  	v0 =	vld [tilespmem:s1+$0xFFFFFF40]  }
0x150: {  	v5 =	vld [tilespmem:s30+$0xFFFFFF40]  }
0x151: {  	[tilespmem:v3+s19+$0x0] =	vst.idx.add.f32.msk $0xffff, v2  }
0x152: {  	[tilespmem:v1+s19+$0x0] =	vst.idx.add.f32.msk $0xffff, v7  }
0x153: {  	v2 =	vld [tilespmem:s1+$0xFFFFFFD0]  }
0x154: {  	v3 =	vld [tilespmem:s28+$0xFFFFFF70]  }
0x155: {  	v7 =	vld [tilespmem:s26+$0xFFFFFF70]  }
0x156: {  	v8 =	vld [tilespmem:s30+$0xFFFFFFD0]  }
0x157: {  	[tilespmem:v0+s19+$0x0] =	vst.idx.add.f32.msk $0xffff, v5  }
0x158: {  	v0 =	vld [tilespmem:s1+$0xFFFFFF50]  }
.Ltmp1:
0x159: {  	v1 =	vld [tilespmem:s30+$0xFFFFFF50];
	(pc) =	sbr.rel @p0 .LBB2_4-.Ltmp1, $4  }
0x15a: {  	[tilespmem:v4+s19+$0x0] =	vst.idx.add.f32.msk $0xffff, v6  }
0x15b: {  	[tilespmem:v2+s19+$0x0] =	vst.idx.add.f32.msk $0xffff, v8  }
0x15c: {  	v2 =	vld [tilespmem:s1+$0xFFFFFFE0]  }
0x15d: {  	s1 =	sadd.s32 $0x100, s1;
	[tilespmem:v3+s19+$0x0] =	vst.idx.add.f32.msk $0xffff, v7  }
0x15e: {  	_ =	sdelay $0x2  }
0x15f: {  	v3 =	vld [tilespmem:s30+$0xFFFFFFE0]  }
0x160: {  	[tilespmem:v0+s19+$0x0] =	vst.idx.add.f32.msk $0xffff, v1  }
0x161: {  	v0 =	vld [tilespmem:s29+$0xFFFFFF60];
	_ =	sdelay $0x2  }
0x162: {  	v1 =	vld [tilespmem:s31+$0xFFFFFF60];
	_ =	sdelay $0x1  }
0x163: {  	[tilespmem:v2+s19+$0x0] =	vst.idx.add.f32.msk $0xffff, v3  }
0x164: {  	v2 =	vld [tilespmem:s29+$0xFFFFFFF0]  }
0x165: {  	v3 =	vld [tilespmem:s31+$0xFFFFFFF0]  }
0x166: {  	[tilespmem:v0+s19+$0x0] =	vst.idx.add.f32.msk $0xffff, v1  }
0x167: {  	v0 =	vld [tilespmem:s29+$0xFFFFFF70];
	_ =	sdelay $0x2  }
0x168: {  	v1 =	vld [tilespmem:s31+$0xFFFFFF70];
	_ =	sdelay $0x1  }
0x169: {  	[tilespmem:v2+s19+$0x0] =	vst.idx.add.f32.msk $0xffff, v3  }
0x16a: {  	v3 =	vld [tilespmem:s28+$0xFFFFFF80]  }
0x16b: {  	v2 =	vld [tilespmem:s29+$0x0]  }
0x16c: {  	[tilespmem:v0+s19+$0x0] =	vst.idx.add.f32.msk $0xffff, v1  }
0x16d: {  	v0 =	vld [tilespmem:s29+$0xFFFFFF80]  }
0x16e: {  	v4 =	vld [tilespmem:s26+$0xFFFFFF80]  }
0x16f: {  	v1 =	vld [tilespmem:s31+$0x0]  }
0x170: {  	v5 =	vld [tilespmem:s31+$0xFFFFFF80];
	_ =	sdelay $0x2  }
0x171: {  	[tilespmem:v3+s19+$0x0] =	vst.idx.add.f32.msk $0xffff, v4  }
0x172: {  	[tilespmem:v2+s19+$0x0] =	vst.idx.add.f32.msk $0xffff, v1  }
0x173: {  	[tilespmem:v0+s19+$0x0] =	vst.idx.add.f32.msk $0xffff, v5  }
0x174: {  	v0 =	vld [tilespmem:$0x7C80];
	_ =	sdelay $0x2  }
0x175: {  	v1 =	vld [tilespmem:$0xF980];
	_ =	sdelay $0x4  }
0x176: {  	[tilespmem:v0+s19+$0x0] =	vst.idx.add.f32.msk $0xffff, v1  }
0x177: {  	v0 =	vld [tilespmem:$0x7C90];
	_ =	sdelay $0x2  }
0x178: {  	v1 =	vld [tilespmem:$0xF990];
	_ =	sdelay $0x4  }
0x179: {  	[tilespmem:v0+s19+$0x0] =	vst.idx.add.f32.msk $0xffff, v1  }
0x17a: {  	v0 =	vld [tilespmem:$0x7CA0];
	_ =	sdelay $0x2  }
0x17b: {  	v1 =	vld [tilespmem:$0xF9A0];
	_ =	sdelay $0x4  }
0x17c: {  	[tilespmem:v0+s19+$0x0] =	vst.idx.add.f32.msk $0xffff, v1  }
0x17d: {  	v0 =	vld [tilespmem:$0x7CB0];
	_ =	sdelay $0x2  }
0x17e: {  	v1 =	vld [tilespmem:$0xF9B0];
	_ =	sdelay $0x4  }
0x17f: {  	[tilespmem:v0+s19+$0x0] =	vst.idx.add.f32.msk $0xffff, v1  }
0x180: {  	v0 =	vld [tilespmem:$0x7CC0];
	_ =	sdelay $0x2  }
0x181: {  	v1 =	vld [tilespmem:$0xF9C0];
	_ =	sdelay $0x4  }
0x182: {  	[tilespmem:v0+s19+$0x0] =	vst.idx.add.f32.msk $0xffff, v1  }
0x183: {  	v0 =	vld [tilespmem:$0x7CD0];
	_ =	sdelay $0x2  }
0x184: {  	v1 =	vld [tilespmem:$0xF9D0];
	_ =	sdelay $0x4  }
0x185: {  	[tilespmem:v0+s19+$0x0] =	vst.idx.add.f32.msk $0xffff, v1  }
0x186: {  	v0 =	vld [tilespmem:$0x7CE0];
	_ =	sdelay $0x2  }
0x187: {  	v1 =	vld [tilespmem:$0xF9E0];
	_ =	sdelay $0x4  }
0x188: {  	[tilespmem:v0+s19+$0x0] =	vst.idx.add.f32.msk $0xffff, v1  }
0x189: {  	v0 =	vld [tilespmem:$0x7CF0];
	_ =	sdelay $0x2  }
0x18a: {  	v1 =	vld [tilespmem:$0xF9F0];
	_ =	sdelay $0x4  }
0x18b: {  	s26 =	simm.s32 $0x80;
	[tilespmem:v0+s19+$0x0] =	vst.idx.add.f32.msk $0xffff, v1  }
0x18c: {  	[tilespmem:s21], [sflag:$0x1] =	stream.strided.gather [hbm4b:s10+s26], $0x3E80, s16, s26, $0x38;
	[tilespmem:$0x12200] =	vst v63  }
0x18d: {  	_ = 	snop  }
0x18e: {  	[tilespmem:s22], [sflag:$0x1] =	stream.strided.gather [hbm4b:s11+s26], $0x3E80, s17, s26, $0x38;
	[tilespmem:$0x12200] =	vst v63  }
0x18f: {  	_ =	swait.ge [sflag:s23], $0x3E80  }
0x190: {  	[sflag:s23] =	ssyncset.done $0x0  }
0x191: {  	[sflag:s23] =	ssyncadd.s32 $0xFFFFC180  }
0x192: {  	_ =	swait.ge [sflag:s23], $0x3E80  }
0x193: {  	[sflag:s23] =	ssyncset.done $0x0  }
0x194: {  	[sflag:s23] =	ssyncadd.s32 $0xFFFFC180  }
0x195: {  	v0 =	vld [tilespmem:s26+$0x0];
	_ =	sdelay $0x1  }
0x196: {  	s28 =	simm.s32 $0x7D80  }
0x197: {  	v1 =	vld [tilespmem:s28+$0x0];
	_ =	sdelay $0x2  }
0x198: {  	v2 =	vld [tilespmem:s26+$0xFFFFFF80]  }
0x199: {  	v3 =	vld [tilespmem:s28+$0xFFFFFF80]  }
0x19a: {  	[tilespmem:v0+s19+$0x0] =	vst.idx.add.f32.msk $0xffff, v1  }
0x19b: {  	v0 =	vld [tilespmem:s26+$0x10];
	_ =	sdelay $0x2  }
0x19c: {  	v1 =	vld [tilespmem:s28+$0x10];
	_ =	sdelay $0x1  }
0x19d: {  	[tilespmem:v2+s19+$0x0] =	vst.idx.add.f32.msk $0xffff, v3  }
0x19e: {  	v2 =	vld [tilespmem:s26+$0xFFFFFF90]  }
0x19f: {  	v3 =	vld [tilespmem:s28+$0xFFFFFF90]  }
0x1a0: {  	[tilespmem:v0+s19+$0x0] =	vst.idx.add.f32.msk $0xffff, v1  }
0x1a1: {  	v0 =	vld [tilespmem:s26+$0x20];
	_ =	sdelay $0x2  }
0x1a2: {  	v1 =	vld [tilespmem:s28+$0x20];
	_ =	sdelay $0x1  }
0x1a3: {  	[tilespmem:v2+s19+$0x0] =	vst.idx.add.f32.msk $0xffff, v3  }
0x1a4: {  	v2 =	vld [tilespmem:s26+$0xFFFFFFA0]  }
0x1a5: {  	v3 =	vld [tilespmem:s28+$0xFFFFFFA0]  }
0x1a6: {  	[tilespmem:v0+s19+$0x0] =	vst.idx.add.f32.msk $0xffff, v1  }
0x1a7: {  	v0 =	vld [tilespmem:s26+$0x30]  }
0x1a8: {  	s29 =	simm.s32 $0x180  }
0x1a9: {  	v6 =	vld [tilespmem:s29+$0xFFFFFF80]  }
0x1aa: {  	s30 =	simm.s32 $0x7E80;
	v1 =	vld [tilespmem:s28+$0x30]  }
0x1ab: {  	v7 =	vld [tilespmem:s30+$0xFFFFFF80]  }
0x1ac: {  	[tilespmem:v2+s19+$0x0] =	vst.idx.add.f32.msk $0xffff, v3  }
0x1ad: {  	v2 =	vld [tilespmem:s26+$0xFFFFFFB0]  }
0x1ae: {  	v3 =	vld [tilespmem:s28+$0xFFFFFFB0]  }
0x1af: {  	[tilespmem:v0+s19+$0x0] =	vst.idx.add.f32.msk $0xffff, v1  }
0x1b0: {  	v0 =	vld [tilespmem:s26+$0x40];
	_ =	sdelay $0x1  }
0x1b1: {  	v58 =	vld [tilespmem:s29+$0x0]  }
0x1b2: {  	v1 =	vld [tilespmem:s28+$0x40]  }
0x1b3: {  	[tilespmem:v6+s19+$0x0] =	vst.idx.add.f32.msk $0xffff, v7  }
0x1b4: {  	[tilespmem:v2+s19+$0x0] =	vst.idx.add.f32.msk $0xffff, v3  }
0x1b5: {  	v2 =	vld [tilespmem:s26+$0xFFFFFFC0]  }
0x1b6: {  	v3 =	vld [tilespmem:s28+$0xFFFFFFC0]  }
0x1b7: {  	[tilespmem:v0+s19+$0x0] =	vst.idx.add.f32.msk $0xffff, v1  }
0x1b8: {  	v1 =	vld [tilespmem:s30+$0x0]  }
0x1b9: {  	v0 =	vld [tilespmem:s26+$0x50]  }
0x1ba: {  	v60 =	vld [tilespmem:s29+$0xFFFFFF90]  }
0x1bb: {  	v61 =	vld [tilespmem:s30+$0xFFFFFF90]  }
0x1bc: {  	v59 =	vld [tilespmem:s28+$0x50]  }
0x1bd: {  	[tilespmem:v2+s19+$0x0] =	vst.idx.add.f32.msk $0xffff, v3  }
0x1be: {  	[tilespmem:v58+s19+$0x0] =	vst.idx.add.f32.msk $0xffff, v1  }
0x1bf: {  	v1 =	vld [tilespmem:s29+$0x10]  }
0x1c0: {  	v2 =	vld [tilespmem:s30+$0x10]  }
0x1c1: {  	[tilespmem:v0+s19+$0x0] =	vst.idx.add.f32.msk $0xffff, v59  }
0x1c2: {  	v0 =	vld [tilespmem:s26+$0x60]  }
0x1c3: {  	[tilespmem:v60+s19+$0x0] =	vst.idx.add.f32.msk $0xffff, v61  }
0x1c4: {  	v4 =	vld [tilespmem:s29+$0xFFFFFFA0]  }
0x1c5: {  	v3 =	vld [tilespmem:s28+$0x60]  }
0x1c6: {  	v5 =	vld [tilespmem:s30+$0xFFFFFFA0]  }
0x1c7: {  	[tilespmem:v1+s19+$0x0] =	vst.idx.add.f32.msk $0xffff, v2  }
0x1c8: {  	v1 =	vld [tilespmem:s29+$0x20]  }
0x1c9: {  	v2 =	vld [tilespmem:s30+$0x20]  }
0x1ca: {  	[tilespmem:v0+s19+$0x0] =	vst.idx.add.f32.msk $0xffff, v3  }
0x1cb: {  	v0 =	vld [tilespmem:s26+$0x70];
	_ =	sdelay $0x2  }
0x1cc: {  	v3 =	vld [tilespmem:s28+$0x70]  }
0x1cd: {  	[tilespmem:v4+s19+$0x0] =	vst.idx.add.f32.msk $0xffff, v5  }
0x1ce: {  	[tilespmem:v1+s19+$0x0] =	vst.idx.add.f32.msk $0xffff, v2  }
0x1cf: {  	v1 =	vld [tilespmem:s29+$0x30]  }
0x1d0: {  	v2 =	vld [tilespmem:s26+$0xFFFFFFD0]  }
0x1d1: {  	[tilespmem:v0+s19+$0x0] =	vst.idx.add.f32.msk $0xffff, v3  }
0x1d2: {  	v0 =	vld [tilespmem:s30+$0x30]  }
0x1d3: {  	v4 =	vld [tilespmem:s29+$0xFFFFFFB0]  }
0x1d4: {  	v3 =	vld [tilespmem:s28+$0xFFFFFFD0];
	_ =	sdelay $0x1  }
0x1d5: {  	v5 =	vld [tilespmem:s30+$0xFFFFFFB0]  }
0x1d6: {  	[tilespmem:v1+s19+$0x0] =	vst.idx.add.f32.msk $0xffff, v0  }
0x1d7: {  	v62 =	vld [tilespmem:s29+$0x40]  }
0x1d8: {  	[tilespmem:v2+s19+$0x0] =	vst.idx.add.f32.msk $0xffff, v3  }
0x1d9: {  	v3 =	vld [tilespmem:s26+$0xFFFFFFE0]  }
0x1da: {  	v2 =	vld [tilespmem:s30+$0x40]  }
0x1db: {  	[tilespmem:v4+s19+$0x0] =	vst.idx.add.f32.msk $0xffff, v5  }
0x1dc: {  	v63 =	vld [tilespmem:s28+$0xFFFFFFE0]  }
0x1dd: {  	v0 =	vld [tilespmem:s29+$0xFFFFFFC0]  }
0x1de: {  	v1 =	vld [tilespmem:s30+$0xFFFFFFC0]  }
0x1df: {  	[tilespmem:v62+s19+$0x0] =	vst.idx.add.f32.msk $0xffff, v2  }
0x1e0: {  	v2 =	vld [tilespmem:s29+$0x50]  }
0x1e1: {  	s0 =	simm.s32 $0x2;
	s1 =	simm.s32 $0x280;
	s31 =	simm.s32 $0x7E80;
	[tilespmem:v3+s19+$0x0] =	vst.idx.add.f32.msk $0xffff, v63  }
.LBB2_6:
0x1e2: {  	v3 =	vld [tilespmem:s1+$0x0]  }
0x1e3: {  	s0 =	sadd.s32 $0x2, s0;
	v4 =	vld [tilespmem:s30+$0x50]  }
0x1e4: {  	p0 =	slt.u32 s0, $0x7A;
	s30 =	sadd.s32 $0x100, s30;
	v5 =	vld [tilespmem:s1+$0xFFFFFF80]  }
0x1e5: {  	v6 =	vld [tilespmem:s30+$0x0]  }
0x1e6: {  	v7 =	vld [tilespmem:s30+$0xFFFFFF80]  }
0x1e7: {  	[tilespmem:v0+s19+$0x0] =	vst.idx.add.f32.msk $0xffff, v1  }
0x1e8: {  	[tilespmem:v2+s19+$0x0] =	vst.idx.add.f32.msk $0xffff, v4  }
0x1e9: {  	v0 =	vld [tilespmem:s29+$0x60]  }
0x1ea: {  	[tilespmem:v3+s19+$0x0] =	vst.idx.add.f32.msk $0xffff, v6  }
0x1eb: {  	v1 =	vld [tilespmem:s1+$0x10]  }
0x1ec: {  	v2 =	vld [tilespmem:s31+$0x60]  }
0x1ed: {  	[tilespmem:v5+s19+$0x0] =	vst.idx.add.f32.msk $0xffff, v7  }
0x1ee: {  	v3 =	vld [tilespmem:s30+$0x10]  }
0x1ef: {  	v4 =	vld [tilespmem:s1+$0xFFFFFF90]  }
0x1f0: {  	v5 =	vld [tilespmem:s30+$0xFFFFFF90]  }
0x1f1: {  	[tilespmem:v0+s19+$0x0] =	vst.idx.add.f32.msk $0xffff, v2  }
0x1f2: {  	v0 =	vld [tilespmem:s29+$0x70]  }
0x1f3: {  	[tilespmem:v1+s19+$0x0] =	vst.idx.add.f32.msk $0xffff, v3  }
0x1f4: {  	v1 =	vld [tilespmem:s1+$0x20]  }
0x1f5: {  	v2 =	vld [tilespmem:s31+$0x70]  }
0x1f6: {  	v3 =	vld [tilespmem:s29+$0xFFFFFFD0]  }
0x1f7: {  	[tilespmem:v4+s19+$0x0] =	vst.idx.add.f32.msk $0xffff, v5  }
0x1f8: {  	v4 =	vld [tilespmem:s30+$0x20]  }
0x1f9: {  	v5 =	vld [tilespmem:s1+$0xFFFFFFA0]  }
0x1fa: {  	[tilespmem:v0+s19+$0x0] =	vst.idx.add.f32.msk $0xffff, v2  }
0x1fb: {  	v0 =	vld [tilespmem:s30+$0xFFFFFFA0]  }
0x1fc: {  	v2 =	vld [tilespmem:s31+$0xFFFFFFD0]  }
0x1fd: {  	[tilespmem:v1+s19+$0x0] =	vst.idx.add.f32.msk $0xffff, v4  }
0x1fe: {  	v1 =	vld [tilespmem:s1+$0x30]  }
0x1ff: {  	v4 =	vld [tilespmem:s26+$0xFFFFFFF0];
	s26 =	smov.u32 s29;
	s29 =	smov.u32 s1  }
0x200: {  	v6 =	vld [tilespmem:s28+$0xFFFFFFF0];
	s28 =	smov.u32 s31;
	s31 =	smov.u32 s30  }
0x201: {  	v7 =	vld [tilespmem:s30+$0x30]  }
0x202: {  	[tilespmem:v5+s19+$0x0] =	vst.idx.add.f32.msk $0xffff, v0  }
0x203: {  	v0 =	vld [tilespmem:s1+$0xFFFFFFB0]  }
0x204: {  	v5 =	vld [tilespmem:s30+$0xFFFFFFB0]  }
0x205: {  	[tilespmem:v3+s19+$0x0] =	vst.idx.add.f32.msk $0xffff, v2  }
0x206: {  	[tilespmem:v1+s19+$0x0] =	vst.idx.add.f32.msk $0xffff, v7  }
0x207: {  	v2 =	vld [tilespmem:s1+$0x40]  }
0x208: {  	v3 =	vld [tilespmem:s26+$0xFFFFFFE0]  }
0x209: {  	v7 =	vld [tilespmem:s28+$0xFFFFFFE0]  }
0x20a: {  	v8 =	vld [tilespmem:s30+$0x40]  }
0x20b: {  	[tilespmem:v0+s19+$0x0] =	vst.idx.add.f32.msk $0xffff, v5  }
0x20c: {  	v0 =	vld [tilespmem:s1+$0xFFFFFFC0]  }
.Ltmp2:
0x20d: {  	v1 =	vld [tilespmem:s30+$0xFFFFFFC0];
	(pc) =	sbr.rel @p0 .LBB2_6-.Ltmp2, $4  }
0x20e: {  	[tilespmem:v4+s19+$0x0] =	vst.idx.add.f32.msk $0xffff, v6  }
0x20f: {  	[tilespmem:v2+s19+$0x0] =	vst.idx.add.f32.msk $0xffff, v8  }
0x210: {  	v2 =	vld [tilespmem:s1+$0x50]  }
0x211: {  	s1 =	sadd.s32 $0x100, s1;
	[tilespmem:v3+s19+$0x0] =	vst.idx.add.f32.msk $0xffff, v7  }
0x212: {  	_ =	sdelay $0x2  }
0x213: {  	v3 =	vld [tilespmem:s30+$0x50]  }
0x214: {  	[tilespmem:v0+s19+$0x0] =	vst.idx.add.f32.msk $0xffff, v1  }
0x215: {  	v0 =	vld [tilespmem:s29+$0xFFFFFFD0];
	_ =	sdelay $0x2  }
0x216: {  	v1 =	vld [tilespmem:s31+$0xFFFFFFD0];
	_ =	sdelay $0x1  }
0x217: {  	[tilespmem:v2+s19+$0x0] =	vst.idx.add.f32.msk $0xffff, v3  }
0x218: {  	v2 =	vld [tilespmem:s29+$0x60]  }
0x219: {  	v3 =	vld [tilespmem:s31+$0x60]  }
0x21a: {  	[tilespmem:v0+s19+$0x0] =	vst.idx.add.f32.msk $0xffff, v1  }
0x21b: {  	v0 =	vld [tilespmem:s29+$0xFFFFFFE0];
	_ =	sdelay $0x2  }
0x21c: {  	v1 =	vld [tilespmem:s31+$0xFFFFFFE0];
	_ =	sdelay $0x1  }
0x21d: {  	[tilespmem:v2+s19+$0x0] =	vst.idx.add.f32.msk $0xffff, v3  }
0x21e: {  	v3 =	vld [tilespmem:s26+$0xFFFFFFF0]  }
0x21f: {  	v2 =	vld [tilespmem:s29+$0x70]  }
0x220: {  	[tilespmem:v0+s19+$0x0] =	vst.idx.add.f32.msk $0xffff, v1  }
0x221: {  	v0 =	vld [tilespmem:s29+$0xFFFFFFF0]  }
0x222: {  	v4 =	vld [tilespmem:s28+$0xFFFFFFF0]  }
0x223: {  	v1 =	vld [tilespmem:s31+$0x70]  }
0x224: {  	v5 =	vld [tilespmem:s31+$0xFFFFFFF0];
	_ =	sdelay $0x2  }
0x225: {  	[tilespmem:v3+s19+$0x0] =	vst.idx.add.f32.msk $0xffff, v4  }
0x226: {  	[tilespmem:v2+s19+$0x0] =	vst.idx.add.f32.msk $0xffff, v1  }
0x227: {  	[tilespmem:v0+s19+$0x0] =	vst.idx.add.f32.msk $0xffff, v5  }
0x228: {  	v0 =	vld [tilespmem:$0x3E00];
	_ =	sdelay $0x2  }
0x229: {  	v1 =	vld [tilespmem:$0xBB00];
	_ =	sdelay $0x4  }
0x22a: {  	[tilespmem:v0+s19+$0x0] =	vst.idx.add.f32.msk $0xffff, v1  }
0x22b: {  	v0 =	vld [tilespmem:$0x3E10];
	_ =	sdelay $0x2  }
0x22c: {  	v1 =	vld [tilespmem:$0xBB10];
	_ =	sdelay $0x4  }
0x22d: {  	[tilespmem:v0+s19+$0x0] =	vst.idx.add.f32.msk $0xffff, v1  }
0x22e: {  	v0 =	vld [tilespmem:$0x3E20];
	_ =	sdelay $0x2  }
0x22f: {  	v1 =	vld [tilespmem:$0xBB20];
	_ =	sdelay $0x4  }
0x230: {  	[tilespmem:v0+s19+$0x0] =	vst.idx.add.f32.msk $0xffff, v1  }
0x231: {  	v0 =	vld [tilespmem:$0x3E30];
	_ =	sdelay $0x2  }
0x232: {  	v1 =	vld [tilespmem:$0xBB30];
	_ =	sdelay $0x4  }
0x233: {  	[tilespmem:v0+s19+$0x0] =	vst.idx.add.f32.msk $0xffff, v1  }
0x234: {  	v0 =	vld [tilespmem:$0x3E40];
	_ =	sdelay $0x2  }
0x235: {  	v1 =	vld [tilespmem:$0xBB40];
	_ =	sdelay $0x4  }
0x236: {  	[tilespmem:v0+s19+$0x0] =	vst.idx.add.f32.msk $0xffff, v1  }
0x237: {  	v0 =	vld [tilespmem:$0x3E50];
	_ =	sdelay $0x2  }
0x238: {  	v1 =	vld [tilespmem:$0xBB50];
	_ =	sdelay $0x4  }
0x239: {  	[tilespmem:v0+s19+$0x0] =	vst.idx.add.f32.msk $0xffff, v1  }
0x23a: {  	v0 =	vld [tilespmem:$0x3E60];
	_ =	sdelay $0x2  }
0x23b: {  	v1 =	vld [tilespmem:$0xBB60];
	_ =	sdelay $0x4  }
0x23c: {  	[tilespmem:v0+s19+$0x0] =	vst.idx.add.f32.msk $0xffff, v1  }
0x23d: {  	v0 =	vld [tilespmem:$0x3E70];
	_ =	sdelay $0x2  }
0x23e: {  	v1 =	vld [tilespmem:$0xBB70];
	_ =	sdelay $0x4  }
0x23f: {  	[tilespmem:v0+s19+$0x0] =	vst.idx.add.f32.msk $0xffff, v1  }
0x240: {  	[tilespmem:s2], [sflag:$0x1] =	stream.strided.gather [hbm4b:s12+s24], $0x3E80, s16, s24, $0x38;
	[tilespmem:$0x12200] =	vst v63  }
0x241: {  	_ = 	snop  }
0x242: {  	[tilespmem:s18], [sflag:$0x1] =	stream.strided.gather [hbm4b:s13+s24], $0x3E80, s17, s24, $0x38;
	[tilespmem:$0x12200] =	vst v63  }
0x243: {  	_ =	swait.ge [sflag:s23], $0x3E80  }
0x244: {  	[sflag:s23] =	ssyncset.done $0x0  }
0x245: {  	[sflag:s23] =	ssyncadd.s32 $0xFFFFC180  }
0x246: {  	_ =	swait.ge [sflag:s23], $0x3E80  }
0x247: {  	[sflag:s23] =	ssyncset.done $0x0  }
0x248: {  	s28 =	simm.s32 $0x3F70;
	[sflag:s23] =	ssyncadd.s32 $0xFFFFC180  }
0x249: {  	v0 =	vld [tilespmem:s28+$0xFFFFFF90];
	_ =	sdelay $0x1  }
0x24a: {  	s26 =	simm.s32 $0xBC70  }
0x24b: {  	v1 =	vld [tilespmem:s26+$0xFFFFFF90];
	_ =	sdelay $0x2  }
0x24c: {  	v2 =	vld [tilespmem:s28+$0xFFFFFF10]  }
0x24d: {  	v3 =	vld [tilespmem:s26+$0xFFFFFF10]  }
0x24e: {  	[tilespmem:v0+s19+$0x0] =	vst.idx.add.f32.msk $0xffff, v1  }
0x24f: {  	v0 =	vld [tilespmem:s28+$0xFFFFFFA0];
	_ =	sdelay $0x2  }
0x250: {  	v1 =	vld [tilespmem:s26+$0xFFFFFFA0];
	_ =	sdelay $0x1  }
0x251: {  	[tilespmem:v2+s19+$0x0] =	vst.idx.add.f32.msk $0xffff, v3  }
0x252: {  	v2 =	vld [tilespmem:s28+$0xFFFFFF20]  }
0x253: {  	v3 =	vld [tilespmem:s26+$0xFFFFFF20]  }
0x254: {  	[tilespmem:v0+s19+$0x0] =	vst.idx.add.f32.msk $0xffff, v1  }
0x255: {  	v0 =	vld [tilespmem:s28+$0xFFFFFFB0];
	_ =	sdelay $0x2  }
0x256: {  	v1 =	vld [tilespmem:s26+$0xFFFFFFB0];
	_ =	sdelay $0x1  }
0x257: {  	[tilespmem:v2+s19+$0x0] =	vst.idx.add.f32.msk $0xffff, v3  }
0x258: {  	v2 =	vld [tilespmem:s28+$0xFFFFFF30]  }
0x259: {  	v3 =	vld [tilespmem:s26+$0xFFFFFF30]  }
0x25a: {  	[tilespmem:v0+s19+$0x0] =	vst.idx.add.f32.msk $0xffff, v1  }
0x25b: {  	v0 =	vld [tilespmem:s28+$0xFFFFFFC0]  }
0x25c: {  	s29 =	simm.s32 $0x4070  }
0x25d: {  	v6 =	vld [tilespmem:s29+$0xFFFFFF10]  }
0x25e: {  	s30 =	simm.s32 $0xBD70;
	v1 =	vld [tilespmem:s26+$0xFFFFFFC0]  }
0x25f: {  	v7 =	vld [tilespmem:s30+$0xFFFFFF10]  }
0x260: {  	[tilespmem:v2+s19+$0x0] =	vst.idx.add.f32.msk $0xffff, v3  }
0x261: {  	v2 =	vld [tilespmem:s28+$0xFFFFFF40]  }
0x262: {  	v3 =	vld [tilespmem:s26+$0xFFFFFF40]  }
0x263: {  	[tilespmem:v0+s19+$0x0] =	vst.idx.add.f32.msk $0xffff, v1  }
0x264: {  	v0 =	vld [tilespmem:s28+$0xFFFFFFD0];
	_ =	sdelay $0x1  }
0x265: {  	v58 =	vld [tilespmem:s29+$0xFFFFFF90]  }
0x266: {  	v1 =	vld [tilespmem:s26+$0xFFFFFFD0]  }
0x267: {  	[tilespmem:v6+s19+$0x0] =	vst.idx.add.f32.msk $0xffff, v7  }
0x268: {  	[tilespmem:v2+s19+$0x0] =	vst.idx.add.f32.msk $0xffff, v3  }
0x269: {  	v2 =	vld [tilespmem:s28+$0xFFFFFF50]  }
0x26a: {  	v3 =	vld [tilespmem:s26+$0xFFFFFF50]  }
0x26b: {  	[tilespmem:v0+s19+$0x0] =	vst.idx.add.f32.msk $0xffff, v1  }
0x26c: {  	v1 =	vld [tilespmem:s30+$0xFFFFFF90]  }
0x26d: {  	v0 =	vld [tilespmem:s28+$0xFFFFFFE0]  }
0x26e: {  	v60 =	vld [tilespmem:s29+$0xFFFFFF20]  }
0x26f: {  	v61 =	vld [tilespmem:s30+$0xFFFFFF20]  }
0x270: {  	v59 =	vld [tilespmem:s26+$0xFFFFFFE0]  }
0x271: {  	[tilespmem:v2+s19+$0x0] =	vst.idx.add.f32.msk $0xffff, v3  }
0x272: {  	[tilespmem:v58+s19+$0x0] =	vst.idx.add.f32.msk $0xffff, v1  }
0x273: {  	v1 =	vld [tilespmem:s29+$0xFFFFFFA0]  }
0x274: {  	v2 =	vld [tilespmem:s30+$0xFFFFFFA0]  }
0x275: {  	[tilespmem:v0+s19+$0x0] =	vst.idx.add.f32.msk $0xffff, v59  }
0x276: {  	v0 =	vld [tilespmem:s28+$0xFFFFFFF0]  }
0x277: {  	[tilespmem:v60+s19+$0x0] =	vst.idx.add.f32.msk $0xffff, v61  }
0x278: {  	v4 =	vld [tilespmem:s29+$0xFFFFFF30]  }
0x279: {  	v3 =	vld [tilespmem:s26+$0xFFFFFFF0]  }
0x27a: {  	v5 =	vld [tilespmem:s30+$0xFFFFFF30]  }
0x27b: {  	[tilespmem:v1+s19+$0x0] =	vst.idx.add.f32.msk $0xffff, v2  }
0x27c: {  	v1 =	vld [tilespmem:s29+$0xFFFFFFB0]  }
0x27d: {  	v2 =	vld [tilespmem:s30+$0xFFFFFFB0]  }
0x27e: {  	[tilespmem:v0+s19+$0x0] =	vst.idx.add.f32.msk $0xffff, v3  }
0x27f: {  	v0 =	vld [tilespmem:s28+$0x0];
	_ =	sdelay $0x2  }
0x280: {  	v3 =	vld [tilespmem:s26+$0x0]  }
0x281: {  	[tilespmem:v4+s19+$0x0] =	vst.idx.add.f32.msk $0xffff, v5  }
0x282: {  	[tilespmem:v1+s19+$0x0] =	vst.idx.add.f32.msk $0xffff, v2  }
0x283: {  	v1 =	vld [tilespmem:s29+$0xFFFFFFC0]  }
0x284: {  	v2 =	vld [tilespmem:s28+$0xFFFFFF60]  }
0x285: {  	[tilespmem:v0+s19+$0x0] =	vst.idx.add.f32.msk $0xffff, v3  }
0x286: {  	v0 =	vld [tilespmem:s30+$0xFFFFFFC0]  }
0x287: {  	v4 =	vld [tilespmem:s29+$0xFFFFFF40]  }
0x288: {  	v3 =	vld [tilespmem:s26+$0xFFFFFF60];
	_ =	sdelay $0x1  }
0x289: {  	v5 =	vld [tilespmem:s30+$0xFFFFFF40]  }
0x28a: {  	[tilespmem:v1+s19+$0x0] =	vst.idx.add.f32.msk $0xffff, v0  }
0x28b: {  	v62 =	vld [tilespmem:s29+$0xFFFFFFD0]  }
0x28c: {  	[tilespmem:v2+s19+$0x0] =	vst.idx.add.f32.msk $0xffff, v3  }
0x28d: {  	v3 =	vld [tilespmem:s28+$0xFFFFFF70]  }
0x28e: {  	v2 =	vld [tilespmem:s30+$0xFFFFFFD0]  }
0x28f: {  	[tilespmem:v4+s19+$0x0] =	vst.idx.add.f32.msk $0xffff, v5  }
0x290: {  	v63 =	vld [tilespmem:s26+$0xFFFFFF70]  }
0x291: {  	v0 =	vld [tilespmem:s29+$0xFFFFFF50]  }
0x292: {  	v1 =	vld [tilespmem:s30+$0xFFFFFF50]  }
0x293: {  	[tilespmem:v62+s19+$0x0] =	vst.idx.add.f32.msk $0xffff, v2  }
0x294: {  	v2 =	vld [tilespmem:s29+$0xFFFFFFE0]  }
0x295: {  	s0 =	simm.s32 $0x2;
	s1 =	simm.s32 $0x4170;
	s31 =	simm.s32 $0xBD70;
	[tilespmem:v3+s19+$0x0] =	vst.idx.add.f32.msk $0xffff, v63  }
.LBB2_8:
0x296: {  	v3 =	vld [tilespmem:s1+$0xFFFFFF90]  }
0x297: {  	s0 =	sadd.s32 $0x2, s0;
	v4 =	vld [tilespmem:s30+$0xFFFFFFE0]  }
0x298: {  	p0 =	slt.u32 s0, $0x7A;
	s30 =	sadd.s32 $0x100, s30;
	v5 =	vld [tilespmem:s1+$0xFFFFFF10]  }
0x299: {  	v6 =	vld [tilespmem:s30+$0xFFFFFF90]  }
0x29a: {  	v7 =	vld [tilespmem:s30+$0xFFFFFF10]  }
0x29b: {  	[tilespmem:v0+s19+$0x0] =	vst.idx.add.f32.msk $0xffff, v1  }
0x29c: {  	[tilespmem:v2+s19+$0x0] =	vst.idx.add.f32.msk $0xffff, v4  }
0x29d: {  	v0 =	vld [tilespmem:s29+$0xFFFFFFF0]  }
0x29e: {  	[tilespmem:v3+s19+$0x0] =	vst.idx.add.f32.msk $0xffff, v6  }
0x29f: {  	v1 =	vld [tilespmem:s1+$0xFFFFFFA0]  }
0x2a0: {  	v2 =	vld [tilespmem:s31+$0xFFFFFFF0]  }
0x2a1: {  	[tilespmem:v5+s19+$0x0] =	vst.idx.add.f32.msk $0xffff, v7  }
0x2a2: {  	v3 =	vld [tilespmem:s30+$0xFFFFFFA0]  }
0x2a3: {  	v4 =	vld [tilespmem:s1+$0xFFFFFF20]  }
0x2a4: {  	v5 =	vld [tilespmem:s30+$0xFFFFFF20]  }
0x2a5: {  	[tilespmem:v0+s19+$0x0] =	vst.idx.add.f32.msk $0xffff, v2  }
0x2a6: {  	v0 =	vld [tilespmem:s29+$0x0]  }
0x2a7: {  	[tilespmem:v1+s19+$0x0] =	vst.idx.add.f32.msk $0xffff, v3  }
0x2a8: {  	v1 =	vld [tilespmem:s1+$0xFFFFFFB0]  }
0x2a9: {  	v2 =	vld [tilespmem:s31+$0x0]  }
0x2aa: {  	v3 =	vld [tilespmem:s29+$0xFFFFFF60]  }
0x2ab: {  	[tilespmem:v4+s19+$0x0] =	vst.idx.add.f32.msk $0xffff, v5  }
0x2ac: {  	v4 =	vld [tilespmem:s30+$0xFFFFFFB0]  }
0x2ad: {  	v5 =	vld [tilespmem:s1+$0xFFFFFF30]  }
0x2ae: {  	[tilespmem:v0+s19+$0x0] =	vst.idx.add.f32.msk $0xffff, v2  }
0x2af: {  	v0 =	vld [tilespmem:s30+$0xFFFFFF30]  }
0x2b0: {  	v2 =	vld [tilespmem:s31+$0xFFFFFF60]  }
0x2b1: {  	[tilespmem:v1+s19+$0x0] =	vst.idx.add.f32.msk $0xffff, v4  }
0x2b2: {  	v1 =	vld [tilespmem:s1+$0xFFFFFFC0]  }
0x2b3: {  	v4 =	vld [tilespmem:s28+$0xFFFFFF80];
	s28 =	smov.u32 s29;
	s29 =	smov.u32 s1  }
0x2b4: {  	v6 =	vld [tilespmem:s26+$0xFFFFFF80];
	s26 =	smov.u32 s31;
	s31 =	smov.u32 s30  }
0x2b5: {  	v7 =	vld [tilespmem:s30+$0xFFFFFFC0]  }
0x2b6: {  	[tilespmem:v5+s19+$0x0] =	vst.idx.add.f32.msk $0xffff, v0  }
0x2b7: {  	v0 =	vld [tilespmem:s1+$0xFFFFFF40]  }
0x2b8: {  	v5 =	vld [tilespmem:s30+$0xFFFFFF40]  }
0x2b9: {  	[tilespmem:v3+s19+$0x0] =	vst.idx.add.f32.msk $0xffff, v2  }
0x2ba: {  	[tilespmem:v1+s19+$0x0] =	vst.idx.add.f32.msk $0xffff, v7  }
0x2bb: {  	v2 =	vld [tilespmem:s1+$0xFFFFFFD0]  }
0x2bc: {  	v3 =	vld [tilespmem:s28+$0xFFFFFF70]  }
0x2bd: {  	v7 =	vld [tilespmem:s26+$0xFFFFFF70]  }
0x2be: {  	v8 =	vld [tilespmem:s30+$0xFFFFFFD0]  }
0x2bf: {  	[tilespmem:v0+s19+$0x0] =	vst.idx.add.f32.msk $0xffff, v5  }
0x2c0: {  	v0 =	vld [tilespmem:s1+$0xFFFFFF50]  }
.Ltmp3:
0x2c1: {  	v1 =	vld [tilespmem:s30+$0xFFFFFF50];
	(pc) =	sbr.rel @p0 .LBB2_8-.Ltmp3, $4  }
0x2c2: {  	[tilespmem:v4+s19+$0x0] =	vst.idx.add.f32.msk $0xffff, v6  }
0x2c3: {  	[tilespmem:v2+s19+$0x0] =	vst.idx.add.f32.msk $0xffff, v8  }
0x2c4: {  	v2 =	vld [tilespmem:s1+$0xFFFFFFE0]  }
0x2c5: {  	s1 =	sadd.s32 $0x100, s1;
	[tilespmem:v3+s19+$0x0] =	vst.idx.add.f32.msk $0xffff, v7  }
0x2c6: {  	_ =	sdelay $0x2  }
0x2c7: {  	v3 =	vld [tilespmem:s30+$0xFFFFFFE0]  }
0x2c8: {  	[tilespmem:v0+s19+$0x0] =	vst.idx.add.f32.msk $0xffff, v1  }
0x2c9: {  	v0 =	vld [tilespmem:s29+$0xFFFFFF60];
	_ =	sdelay $0x2  }
0x2ca: {  	v1 =	vld [tilespmem:s31+$0xFFFFFF60];
	_ =	sdelay $0x1  }
0x2cb: {  	[tilespmem:v2+s19+$0x0] =	vst.idx.add.f32.msk $0xffff, v3  }
0x2cc: {  	v2 =	vld [tilespmem:s29+$0xFFFFFFF0]  }
0x2cd: {  	v3 =	vld [tilespmem:s31+$0xFFFFFFF0]  }
0x2ce: {  	[tilespmem:v0+s19+$0x0] =	vst.idx.add.f32.msk $0xffff, v1  }
0x2cf: {  	v0 =	vld [tilespmem:s29+$0xFFFFFF70];
	_ =	sdelay $0x2  }
0x2d0: {  	v1 =	vld [tilespmem:s31+$0xFFFFFF70];
	_ =	sdelay $0x1  }
0x2d1: {  	[tilespmem:v2+s19+$0x0] =	vst.idx.add.f32.msk $0xffff, v3  }
0x2d2: {  	v3 =	vld [tilespmem:s28+$0xFFFFFF80]  }
0x2d3: {  	v2 =	vld [tilespmem:s29+$0x0]  }
0x2d4: {  	[tilespmem:v0+s19+$0x0] =	vst.idx.add.f32.msk $0xffff, v1  }
0x2d5: {  	v0 =	vld [tilespmem:s29+$0xFFFFFF80]  }
0x2d6: {  	v4 =	vld [tilespmem:s26+$0xFFFFFF80]  }
0x2d7: {  	v1 =	vld [tilespmem:s31+$0x0]  }
0x2d8: {  	v5 =	vld [tilespmem:s31+$0xFFFFFF80];
	_ =	sdelay $0x2  }
0x2d9: {  	[tilespmem:v3+s19+$0x0] =	vst.idx.add.f32.msk $0xffff, v4  }
0x2da: {  	[tilespmem:v2+s19+$0x0] =	vst.idx.add.f32.msk $0xffff, v1  }
0x2db: {  	[tilespmem:v0+s19+$0x0] =	vst.idx.add.f32.msk $0xffff, v5  }
0x2dc: {  	v0 =	vld [tilespmem:$0x7C80];
	_ =	sdelay $0x2  }
0x2dd: {  	v1 =	vld [tilespmem:$0xF980];
	_ =	sdelay $0x4  }
0x2de: {  	[tilespmem:v0+s19+$0x0] =	vst.idx.add.f32.msk $0xffff, v1  }
0x2df: {  	v0 =	vld [tilespmem:$0x7C90];
	_ =	sdelay $0x2  }
0x2e0: {  	v1 =	vld [tilespmem:$0xF990];
	_ =	sdelay $0x4  }
0x2e1: {  	[tilespmem:v0+s19+$0x0] =	vst.idx.add.f32.msk $0xffff, v1  }
0x2e2: {  	v0 =	vld [tilespmem:$0x7CA0];
	_ =	sdelay $0x2  }
0x2e3: {  	v1 =	vld [tilespmem:$0xF9A0];
	_ =	sdelay $0x4  }
0x2e4: {  	[tilespmem:v0+s19+$0x0] =	vst.idx.add.f32.msk $0xffff, v1  }
0x2e5: {  	v0 =	vld [tilespmem:$0x7CB0];
	_ =	sdelay $0x2  }
0x2e6: {  	v1 =	vld [tilespmem:$0xF9B0];
	_ =	sdelay $0x4  }
0x2e7: {  	[tilespmem:v0+s19+$0x0] =	vst.idx.add.f32.msk $0xffff, v1  }
0x2e8: {  	v0 =	vld [tilespmem:$0x7CC0];
	_ =	sdelay $0x2  }
0x2e9: {  	v1 =	vld [tilespmem:$0xF9C0];
	_ =	sdelay $0x4  }
0x2ea: {  	[tilespmem:v0+s19+$0x0] =	vst.idx.add.f32.msk $0xffff, v1  }
0x2eb: {  	v0 =	vld [tilespmem:$0x7CD0];
	_ =	sdelay $0x2  }
0x2ec: {  	v1 =	vld [tilespmem:$0xF9D0];
	_ =	sdelay $0x4  }
0x2ed: {  	[tilespmem:v0+s19+$0x0] =	vst.idx.add.f32.msk $0xffff, v1  }
0x2ee: {  	v0 =	vld [tilespmem:$0x7CE0];
	_ =	sdelay $0x2  }
0x2ef: {  	v1 =	vld [tilespmem:$0xF9E0];
	_ =	sdelay $0x4  }
0x2f0: {  	[tilespmem:v0+s19+$0x0] =	vst.idx.add.f32.msk $0xffff, v1  }
0x2f1: {  	v0 =	vld [tilespmem:$0x7CF0];
	_ =	sdelay $0x2  }
0x2f2: {  	v1 =	vld [tilespmem:$0xF9F0];
	_ =	sdelay $0x4  }
0x2f3: {  	[tilespmem:v0+s19+$0x0] =	vst.idx.add.f32.msk $0xffff, v1  }
0x2f4: {  	_ =	swait.ge [sflag:s23], $0x3E80  }
0x2f5: {  	[sflag:s23] =	ssyncset.done $0x0  }
0x2f6: {  	[sflag:s23] =	ssyncadd.s32 $0xFFFFC180  }
0x2f7: {  	_ =	swait.ge [sflag:s23], $0x3E80  }
0x2f8: {  	[sflag:s23] =	ssyncset.done $0x0  }
0x2f9: {  	s28 =	simm.s32 $0x80;
	[sflag:s23] =	ssyncadd.s32 $0xFFFFC180  }
0x2fa: {  	v0 =	vld [tilespmem:s28+$0x0];
	_ =	sdelay $0x1  }
0x2fb: {  	s26 =	simm.s32 $0x7D80  }
0x2fc: {  	v1 =	vld [tilespmem:s26+$0x0];
	_ =	sdelay $0x2  }
0x2fd: {  	v2 =	vld [tilespmem:s28+$0xFFFFFF80]  }
0x2fe: {  	v3 =	vld [tilespmem:s26+$0xFFFFFF80]  }
0x2ff: {  	[tilespmem:v0+s19+$0x0] =	vst.idx.add.f32.msk $0xffff, v1  }
0x300: {  	v0 =	vld [tilespmem:s28+$0x10];
	_ =	sdelay $0x2  }
0x301: {  	v1 =	vld [tilespmem:s26+$0x10];
	_ =	sdelay $0x1  }
0x302: {  	[tilespmem:v2+s19+$0x0] =	vst.idx.add.f32.msk $0xffff, v3  }
0x303: {  	v2 =	vld [tilespmem:s28+$0xFFFFFF90]  }
0x304: {  	v3 =	vld [tilespmem:s26+$0xFFFFFF90]  }
0x305: {  	[tilespmem:v0+s19+$0x0] =	vst.idx.add.f32.msk $0xffff, v1  }
0x306: {  	v0 =	vld [tilespmem:s28+$0x20];
	_ =	sdelay $0x2  }
0x307: {  	v1 =	vld [tilespmem:s26+$0x20];
	_ =	sdelay $0x1  }
0x308: {  	[tilespmem:v2+s19+$0x0] =	vst.idx.add.f32.msk $0xffff, v3  }
0x309: {  	v2 =	vld [tilespmem:s28+$0xFFFFFFA0]  }
0x30a: {  	v3 =	vld [tilespmem:s26+$0xFFFFFFA0]  }
0x30b: {  	[tilespmem:v0+s19+$0x0] =	vst.idx.add.f32.msk $0xffff, v1  }
0x30c: {  	v0 =	vld [tilespmem:s28+$0x30]  }
0x30d: {  	s29 =	simm.s32 $0x180  }
0x30e: {  	v6 =	vld [tilespmem:s29+$0xFFFFFF80]  }
0x30f: {  	s30 =	simm.s32 $0x7E80;
	v1 =	vld [tilespmem:s26+$0x30]  }
0x310: {  	v7 =	vld [tilespmem:s30+$0xFFFFFF80]  }
0x311: {  	[tilespmem:v2+s19+$0x0] =	vst.idx.add.f32.msk $0xffff, v3  }
0x312: {  	v2 =	vld [tilespmem:s28+$0xFFFFFFB0]  }
0x313: {  	v3 =	vld [tilespmem:s26+$0xFFFFFFB0]  }
0x314: {  	[tilespmem:v0+s19+$0x0] =	vst.idx.add.f32.msk $0xffff, v1  }
0x315: {  	v0 =	vld [tilespmem:s28+$0x40];
	_ =	sdelay $0x1  }
0x316: {  	v58 =	vld [tilespmem:s29+$0x0]  }
0x317: {  	v1 =	vld [tilespmem:s26+$0x40]  }
0x318: {  	[tilespmem:v6+s19+$0x0] =	vst.idx.add.f32.msk $0xffff, v7  }
0x319: {  	[tilespmem:v2+s19+$0x0] =	vst.idx.add.f32.msk $0xffff, v3  }
0x31a: {  	v2 =	vld [tilespmem:s28+$0xFFFFFFC0]  }
0x31b: {  	v3 =	vld [tilespmem:s26+$0xFFFFFFC0]  }
0x31c: {  	[tilespmem:v0+s19+$0x0] =	vst.idx.add.f32.msk $0xffff, v1  }
0x31d: {  	v1 =	vld [tilespmem:s30+$0x0]  }
0x31e: {  	v0 =	vld [tilespmem:s28+$0x50]  }
0x31f: {  	v60 =	vld [tilespmem:s29+$0xFFFFFF90]  }
0x320: {  	v61 =	vld [tilespmem:s30+$0xFFFFFF90]  }
0x321: {  	v59 =	vld [tilespmem:s26+$0x50]  }
0x322: {  	[tilespmem:v2+s19+$0x0] =	vst.idx.add.f32.msk $0xffff, v3  }
0x323: {  	[tilespmem:v58+s19+$0x0] =	vst.idx.add.f32.msk $0xffff, v1  }
0x324: {  	v1 =	vld [tilespmem:s29+$0x10]  }
0x325: {  	v2 =	vld [tilespmem:s30+$0x10]  }
0x326: {  	[tilespmem:v0+s19+$0x0] =	vst.idx.add.f32.msk $0xffff, v59  }
0x327: {  	v0 =	vld [tilespmem:s28+$0x60]  }
0x328: {  	[tilespmem:v60+s19+$0x0] =	vst.idx.add.f32.msk $0xffff, v61  }
0x329: {  	v4 =	vld [tilespmem:s29+$0xFFFFFFA0]  }
0x32a: {  	v3 =	vld [tilespmem:s26+$0x60]  }
0x32b: {  	v5 =	vld [tilespmem:s30+$0xFFFFFFA0]  }
0x32c: {  	[tilespmem:v1+s19+$0x0] =	vst.idx.add.f32.msk $0xffff, v2  }
0x32d: {  	v1 =	vld [tilespmem:s29+$0x20]  }
0x32e: {  	v2 =	vld [tilespmem:s30+$0x20]  }
0x32f: {  	[tilespmem:v0+s19+$0x0] =	vst.idx.add.f32.msk $0xffff, v3  }
0x330: {  	v0 =	vld [tilespmem:s28+$0x70];
	_ =	sdelay $0x2  }
0x331: {  	v3 =	vld [tilespmem:s26+$0x70]  }
0x332: {  	[tilespmem:v4+s19+$0x0] =	vst.idx.add.f32.msk $0xffff, v5  }
0x333: {  	[tilespmem:v1+s19+$0x0] =	vst.idx.add.f32.msk $0xffff, v2  }
0x334: {  	v1 =	vld [tilespmem:s29+$0x30]  }
0x335: {  	v2 =	vld [tilespmem:s28+$0xFFFFFFD0]  }
0x336: {  	[tilespmem:v0+s19+$0x0] =	vst.idx.add.f32.msk $0xffff, v3  }
0x337: {  	v0 =	vld [tilespmem:s30+$0x30]  }
0x338: {  	v4 =	vld [tilespmem:s29+$0xFFFFFFB0]  }
0x339: {  	v3 =	vld [tilespmem:s26+$0xFFFFFFD0];
	_ =	sdelay $0x1  }
0x33a: {  	v5 =	vld [tilespmem:s30+$0xFFFFFFB0]  }
0x33b: {  	[tilespmem:v1+s19+$0x0] =	vst.idx.add.f32.msk $0xffff, v0  }
0x33c: {  	v62 =	vld [tilespmem:s29+$0x40]  }
0x33d: {  	[tilespmem:v2+s19+$0x0] =	vst.idx.add.f32.msk $0xffff, v3  }
0x33e: {  	v3 =	vld [tilespmem:s28+$0xFFFFFFE0]  }
0x33f: {  	v2 =	vld [tilespmem:s30+$0x40]  }
0x340: {  	[tilespmem:v4+s19+$0x0] =	vst.idx.add.f32.msk $0xffff, v5  }
0x341: {  	v63 =	vld [tilespmem:s26+$0xFFFFFFE0]  }
0x342: {  	v0 =	vld [tilespmem:s29+$0xFFFFFFC0]  }
0x343: {  	v1 =	vld [tilespmem:s30+$0xFFFFFFC0]  }
0x344: {  	[tilespmem:v62+s19+$0x0] =	vst.idx.add.f32.msk $0xffff, v2  }
0x345: {  	v2 =	vld [tilespmem:s29+$0x50]  }
0x346: {  	s0 =	simm.s32 $0x2;
	s1 =	simm.s32 $0x280;
	s31 =	simm.s32 $0x7E80;
	[tilespmem:v3+s19+$0x0] =	vst.idx.add.f32.msk $0xffff, v63  }
.LBB2_10:
0x347: {  	v3 =	vld [tilespmem:s1+$0x0]  }
0x348: {  	s0 =	sadd.s32 $0x2, s0;
	v4 =	vld [tilespmem:s30+$0x50]  }
0x349: {  	p0 =	slt.u32 s0, $0x7A;
	s30 =	sadd.s32 $0x100, s30;
	v5 =	vld [tilespmem:s1+$0xFFFFFF80]  }
0x34a: {  	v6 =	vld [tilespmem:s30+$0x0]  }
0x34b: {  	v7 =	vld [tilespmem:s30+$0xFFFFFF80]  }
0x34c: {  	[tilespmem:v0+s19+$0x0] =	vst.idx.add.f32.msk $0xffff, v1  }
0x34d: {  	[tilespmem:v2+s19+$0x0] =	vst.idx.add.f32.msk $0xffff, v4  }
0x34e: {  	v0 =	vld [tilespmem:s29+$0x60]  }
0x34f: {  	[tilespmem:v3+s19+$0x0] =	vst.idx.add.f32.msk $0xffff, v6  }
0x350: {  	v1 =	vld [tilespmem:s1+$0x10]  }
0x351: {  	v2 =	vld [tilespmem:s31+$0x60]  }
0x352: {  	[tilespmem:v5+s19+$0x0] =	vst.idx.add.f32.msk $0xffff, v7  }
0x353: {  	v3 =	vld [tilespmem:s30+$0x10]  }
0x354: {  	v4 =	vld [tilespmem:s1+$0xFFFFFF90]  }
0x355: {  	v5 =	vld [tilespmem:s30+$0xFFFFFF90]  }
0x356: {  	[tilespmem:v0+s19+$0x0] =	vst.idx.add.f32.msk $0xffff, v2  }
0x357: {  	v0 =	vld [tilespmem:s29+$0x70]  }
0x358: {  	[tilespmem:v1+s19+$0x0] =	vst.idx.add.f32.msk $0xffff, v3  }
0x359: {  	v1 =	vld [tilespmem:s1+$0x20]  }
0x35a: {  	v2 =	vld [tilespmem:s31+$0x70]  }
0x35b: {  	v3 =	vld [tilespmem:s29+$0xFFFFFFD0]  }
0x35c: {  	[tilespmem:v4+s19+$0x0] =	vst.idx.add.f32.msk $0xffff, v5  }
0x35d: {  	v4 =	vld [tilespmem:s30+$0x20]  }
0x35e: {  	v5 =	vld [tilespmem:s1+$0xFFFFFFA0]  }
0x35f: {  	[tilespmem:v0+s19+$0x0] =	vst.idx.add.f32.msk $0xffff, v2  }
0x360: {  	v0 =	vld [tilespmem:s30+$0xFFFFFFA0]  }
0x361: {  	v2 =	vld [tilespmem:s31+$0xFFFFFFD0]  }
0x362: {  	[tilespmem:v1+s19+$0x0] =	vst.idx.add.f32.msk $0xffff, v4  }
0x363: {  	v1 =	vld [tilespmem:s1+$0x30]  }
0x364: {  	v4 =	vld [tilespmem:s28+$0xFFFFFFF0];
	s28 =	smov.u32 s29;
	s29 =	smov.u32 s1  }
0x365: {  	v6 =	vld [tilespmem:s26+$0xFFFFFFF0];
	s26 =	smov.u32 s31;
	s31 =	smov.u32 s30  }
0x366: {  	v7 =	vld [tilespmem:s30+$0x30]  }
0x367: {  	[tilespmem:v5+s19+$0x0] =	vst.idx.add.f32.msk $0xffff, v0  }
0x368: {  	v0 =	vld [tilespmem:s1+$0xFFFFFFB0]  }
0x369: {  	v5 =	vld [tilespmem:s30+$0xFFFFFFB0]  }
0x36a: {  	[tilespmem:v3+s19+$0x0] =	vst.idx.add.f32.msk $0xffff, v2  }
0x36b: {  	[tilespmem:v1+s19+$0x0] =	vst.idx.add.f32.msk $0xffff, v7  }
0x36c: {  	v2 =	vld [tilespmem:s1+$0x40]  }
0x36d: {  	v3 =	vld [tilespmem:s28+$0xFFFFFFE0]  }
0x36e: {  	v7 =	vld [tilespmem:s26+$0xFFFFFFE0]  }
0x36f: {  	v8 =	vld [tilespmem:s30+$0x40]  }
0x370: {  	[tilespmem:v0+s19+$0x0] =	vst.idx.add.f32.msk $0xffff, v5  }
0x371: {  	v0 =	vld [tilespmem:s1+$0xFFFFFFC0]  }
.Ltmp4:
0x372: {  	v1 =	vld [tilespmem:s30+$0xFFFFFFC0];
	(pc) =	sbr.rel @p0 .LBB2_10-.Ltmp4, $4  }
0x373: {  	[tilespmem:v4+s19+$0x0] =	vst.idx.add.f32.msk $0xffff, v6  }
0x374: {  	[tilespmem:v2+s19+$0x0] =	vst.idx.add.f32.msk $0xffff, v8  }
0x375: {  	v2 =	vld [tilespmem:s1+$0x50]  }
0x376: {  	s1 =	sadd.s32 $0x100, s1;
	[tilespmem:v3+s19+$0x0] =	vst.idx.add.f32.msk $0xffff, v7  }
0x377: {  	_ =	sdelay $0x3  }
0x378: {  	[tilespmem:v0+s19+$0x0] =	vst.idx.add.f32.msk $0xffff, v1  }
0x379: {  	v0 =	vld [tilespmem:s29+$0xFFFFFFD0]  }
0x37a: {  	v3 =	vld [tilespmem:s30+$0x50];
	_ =	sdelay $0x1  }
0x37b: {  	v1 =	vld [tilespmem:s31+$0xFFFFFFD0];
	_ =	sdelay $0x2  }
0x37c: {  	[tilespmem:v2+s19+$0x0] =	vst.idx.add.f32.msk $0xffff, v3  }
0x37d: {  	v2 =	vld [tilespmem:s29+$0x60]  }
0x37e: {  	[tilespmem:v0+s19+$0x0] =	vst.idx.add.f32.msk $0xffff, v1  }
0x37f: {  	v0 =	vld [tilespmem:s29+$0xFFFFFFE0]  }
0x380: {  	v3 =	vld [tilespmem:s31+$0x60];
	_ =	sdelay $0x1  }
0x381: {  	v1 =	vld [tilespmem:s31+$0xFFFFFFE0];
	_ =	sdelay $0x1  }
0x382: {  	v62 =	vld [tilespmem:s28+$0xFFFFFFF0]  }
0x383: {  	[tilespmem:v2+s19+$0x0] =	vst.idx.add.f32.msk $0xffff, v3  }
0x384: {  	v2 =	vld [tilespmem:s29+$0x70]  }
0x385: {  	[tilespmem:v0+s19+$0x0] =	vst.idx.add.f32.msk $0xffff, v1  }
0x386: {  	v0 =	vld [tilespmem:s29+$0xFFFFFFF0]  }
0x387: {  	v4 =	vld [tilespmem:s26+$0xFFFFFFF0]  }
0x388: {  	v63 =	vld [tilespmem:s31+$0x70]  }
0x389: {  	v5 =	vld [tilespmem:s31+$0xFFFFFFF0];
	_ =	sdelay $0x2  }
0x38a: {  	[tilespmem:v62+s19+$0x0] =	vst.idx.add.f32.msk $0xffff, v4  }
0x38b: {  	[tilespmem:v2+s19+$0x0] =	vst.idx.add.f32.msk $0xffff, v63  }
0x38c: {  	[tilespmem:v0+s19+$0x0] =	vst.idx.add.f32.msk $0xffff, v5  }
0x38d: {  	v0 =	vld [tilespmem:$0x3E00];
	_ =	sdelay $0x2  }
0x38e: {  	v1 =	vld [tilespmem:$0xBB00];
	_ =	sdelay $0x4  }
0x38f: {  	[tilespmem:v0+s19+$0x0] =	vst.idx.add.f32.msk $0xffff, v1  }
0x390: {  	v0 =	vld [tilespmem:$0x3E10];
	_ =	sdelay $0x2  }
0x391: {  	v1 =	vld [tilespmem:$0xBB10];
	_ =	sdelay $0x4  }
0x392: {  	[tilespmem:v0+s19+$0x0] =	vst.idx.add.f32.msk $0xffff, v1  }
0x393: {  	v0 =	vld [tilespmem:$0x3E20];
	_ =	sdelay $0x2  }
0x394: {  	v1 =	vld [tilespmem:$0xBB20];
	_ =	sdelay $0x4  }
0x395: {  	[tilespmem:v0+s19+$0x0] =	vst.idx.add.f32.msk $0xffff, v1  }
0x396: {  	v0 =	vld [tilespmem:$0x3E30];
	_ =	sdelay $0x2  }
0x397: {  	v1 =	vld [tilespmem:$0xBB30];
	_ =	sdelay $0x4  }
0x398: {  	[tilespmem:v0+s19+$0x0] =	vst.idx.add.f32.msk $0xffff, v1  }
0x399: {  	v0 =	vld [tilespmem:$0x3E40];
	_ =	sdelay $0x2  }
0x39a: {  	v1 =	vld [tilespmem:$0xBB40];
	_ =	sdelay $0x4  }
0x39b: {  	[tilespmem:v0+s19+$0x0] =	vst.idx.add.f32.msk $0xffff, v1  }
0x39c: {  	v0 =	vld [tilespmem:$0x3E50];
	_ =	sdelay $0x2  }
0x39d: {  	v1 =	vld [tilespmem:$0xBB50];
	_ =	sdelay $0x4  }
0x39e: {  	[tilespmem:v0+s19+$0x0] =	vst.idx.add.f32.msk $0xffff, v1  }
0x39f: {  	v0 =	vld [tilespmem:$0x3E60];
	_ =	sdelay $0x2  }
0x3a0: {  	v1 =	vld [tilespmem:$0xBB60];
	_ =	sdelay $0x4  }
0x3a1: {  	[tilespmem:v0+s19+$0x0] =	vst.idx.add.f32.msk $0xffff, v1  }
0x3a2: {  	v0 =	vld [tilespmem:$0x3E70];
	_ =	sdelay $0x2  }
0x3a3: {  	v1 =	vld [tilespmem:$0xBB70];
	_ =	sdelay $0x2  }
0x3a4: {  	s25 =	sadd.s32 $0x1, s25  }
0x3a5: {  	p0 =	sne.s32 s25, s15  }
.Ltmp5:
0x3a6: {  	[tilespmem:v0+s19+$0x0] =	vst.idx.add.f32.msk $0xffff, v1;
	(pc) =	sbr.rel @p0 .LBB2_1-.Ltmp5, $4  }
0x3a7: {  	[hbm4b:s14+s2] =	stream.linear.scatter [tilespmem:s19], [sflag:$0x2], $0x2800, $0x38;
	[tilespmem:$0x12200] =	vst v63  }
0x3a8: {  	_ =	swait.ge [sflag:s20], $0x2800  }
0x3a9: {  	[sflag:s20] =	ssyncset.done $0x0  }
0x3aa: {  	[sflag:s20] =	ssyncadd.s32 $0xFFFFD800  }
0x3ab: {  	_ =	sfence.sel $0x180000  }
0x3ac: {  	[bflag:$0x0] =	sbarrier.arrive $0xFFFF  }
0x3ad: {  	_ =	strace $0x90000047  }
0x3ae: {  	s0 =	stileid.u32;
	[bflag:$0x2] =	sbarrier.arrive $0xFFFF  }
0x3af: {  	p0 =	sne.s32 s0, $0x0;
	s0 =	rddreg [dreg:$0x3]  }
0x3b0: {  	s0 =	sadd.s32 @!p0 $0x100000, s0  }
0x3b1: {  	[sflag:s0] =	ssyncadd.tile.s32 @!p0 $0x1;
	_ =	shalt  }
.Lfunc_end2:
_tile_overlayer_lowered:
.L_overlay_start_2:
0x3b2: {  	(tag) =	ssettag $0x2  }
0x3b3: {  	s0 =	rddreg [dreg:$0x0];
	s2 =	stileid.u32  }
0x3b4: {  	s1 =	rddreg [dreg:$0x1];
	p0 =	sne.s32 s2, $0x0  }
0x3b5: {  	s3 =	rddreg [dreg:$0x2];
	[bflag:$0x3] =	sbarrier.arrive $0xFFFF;
	s2 =	simm.s32 @!p0 $0x1C02  }
0x3b6: {  	[timem:s3], [sflag:s2] =	dma.local @!p0 [hbm:s0], s1  }
0x3b7: {  	s0 =	simm.s32 @!p0 $0x2  }
0x3b8: {  	_ =	swait.ge @!p0 [sflag:s0], s1  }
0x3b9: {  	s1 =	ssub.s32 @!p0 $0x0, s1;
	[sflag:s0] =	ssyncset.done @!p0 $0x0  }
0x3ba: {  	[sflag:s0] =	ssyncadd.s32 @!p0 s1  }
0x3bb: {  	[bflag:$0x3] =	sbarrier.arrive $0xFFFF  }
0x3bc: {  	_ =	shalt  }

</sc_bundles>
